<compile_context>
chip_gen: v7x
topology: tpu7x:2x2x1
jax: 0.10.2.dev20260603
libtpu: 0.0.44.dev20260713+nightly
codegen_flags: <defaults>
</compile_context>

<pallas_src>
import functools

import jax
import jax.numpy as jnp
from jax import lax
from jax.experimental import pallas as pl
from jax.experimental.pallas import tpu as pltpu
from jax.experimental.pallas import tpu_sc as plsc

N_NODES = 10000
N_EDGES = 320000
D = 128
NUM_RELS = 100

NC = 2
NS = 16
NW = NC * NS
EPW = N_EDGES // NW
C = 80
K = EPW // C
G = 5
B = K // G

ROWS_PER_SUB = 624
TAIL_ROWS = N_NODES - NS * ROWS_PER_SUB
TAIL_BASE = NS * ROWS_PER_SUB


def _sc_agg(h, e, weight, attention, src_r, dst_r, rel_r):
    mesh = plsc.VectorSubcoreMesh(core_axis_name="c", subcore_axis_name="s")

    @functools.partial(
        pl.kernel,
        out_type=jax.ShapeDtypeStruct((NC, N_NODES, D), jnp.float32),
        mesh=mesh,
        scratch_types=[
            pltpu.VMEM_SHARED((N_NODES, D), jnp.float32),
            pltpu.VMEM((G, C), jnp.int32),
            pltpu.VMEM((G, C), jnp.int32),
            pltpu.VMEM((G, C), jnp.int32),
            pltpu.VMEM((C, D), jnp.float32),
            pltpu.VMEM((C, D), jnp.float32),
            pltpu.VMEM((C, D), jnp.float32),
            pltpu.VMEM((C, D), jnp.float32),
            pltpu.SemaphoreType.DMA,
            pltpu.SemaphoreType.DMA,
            pltpu.SemaphoreType.DMA,
            pltpu.SemaphoreType.DMA,
            pltpu.SemaphoreType.DMA,
        ],
    )
    def k(h_hbm, e_hbm, w_hbm, a_hbm, src_hbm, dst_hbm, rel_hbm, parts_hbm,
          agg, src_v, dst_v, rel_v, node_v, e_v, w_v, a_v,
          sem0, sem1, sem2, sem3, ssem):
        c = lax.axis_index("c")
        s = lax.axis_index("s")
        wid = c * NS + s

        row0 = s * ROWS_PER_SUB
        pltpu.sync_copy(h_hbm.at[pl.ds(row0, ROWS_PER_SUB)],
                        agg.at[pl.ds(row0, ROWS_PER_SUB)])

        @pl.when(s == 0)
        def _():
            pltpu.sync_copy(h_hbm.at[pl.ds(TAIL_BASE, TAIL_ROWS)],
                            agg.at[pl.ds(TAIL_BASE, TAIL_ROWS)])

        plsc.subcore_barrier()

        def wait_scatter():
            pltpu.make_async_copy(e_hbm.at[pl.ds(0, C)], node_v, ssem).wait()

        @pl.loop(0, B)
        def _(b):
            @pl.when(b >= 1)
            def _():
                wait_scatter()

            i0 = pltpu.async_copy(src_hbm.at[wid, b], src_v, sem0)
            i1 = pltpu.async_copy(dst_hbm.at[wid, b], dst_v, sem1)
            i2 = pltpu.async_copy(rel_hbm.at[wid, b], rel_v, sem2)
            i0.wait()
            i1.wait()
            i2.wait()

            @pl.loop(0, G)
            def _(g):
                @pl.when(g >= 1)
                def _():
                    wait_scatter()

                ebase = wid * EPW + (b * G + g) * C
                d0 = pltpu.async_copy(h_hbm.at[src_v.at[g]], node_v, sem0)
                d1 = pltpu.async_copy(w_hbm.at[rel_v.at[g]], w_v, sem1)
                d2 = pltpu.async_copy(a_hbm.at[rel_v.at[g]], a_v, sem2)
                d3 = pltpu.async_copy(e_hbm.at[pl.ds(ebase, C)], e_v, sem3)
                d0.wait()
                d1.wait()
                d2.wait()
                d3.wait()

                @pl.loop(0, C)
                def _(r):
                    for dd in range(D // 16):
                        sl = pl.ds(dd * 16, 16)
                        node_v[r, sl] = (node_v[r, sl] * w_v[r, sl]
                                         + e_v[r, sl] * a_v[r, sl])

                pltpu.async_copy(node_v, agg.at[dst_v.at[g]], ssem, add=True)

        wait_scatter()
        plsc.subcore_barrier()
        pltpu.sync_copy(agg.at[pl.ds(row0, ROWS_PER_SUB)],
                        parts_hbm.at[c, pl.ds(row0, ROWS_PER_SUB)])

        @pl.when(s == 0)
        def _():
            pltpu.sync_copy(agg.at[pl.ds(TAIL_BASE, TAIL_ROWS)],
                            parts_hbm.at[c, pl.ds(TAIL_BASE, TAIL_ROWS)])

    return k(h, e, weight, attention, src_r, dst_r, rel_r)


def _combine_kernel(parts_ref, h_ref, o_ref):
    o_ref[...] = parts_ref[0] + parts_ref[1] - h_ref[...]


def _combine(parts, h):
    bn = 2000
    return pl.pallas_call(
        _combine_kernel,
        grid=(N_NODES // bn,),
        in_specs=[
            pl.BlockSpec((NC, bn, D), lambda i: (0, i, 0)),
            pl.BlockSpec((bn, D), lambda i: (i, 0)),
        ],
        out_specs=pl.BlockSpec((bn, D), lambda i: (i, 0)),
        out_shape=jax.ShapeDtypeStruct((N_NODES, D), jnp.float32),
    )(parts, h)


def kernel(h, e, weight, attention, edge_index, rel):
    src = edge_index[0].astype(jnp.int32).reshape(NW, B, G, C)
    dst = edge_index[1].astype(jnp.int32).reshape(NW, B, G, C)
    rel32 = rel.astype(jnp.int32).reshape(NW, B, G, C)
    parts = _sc_agg(h, e, weight, attention, src, dst, rel32)
    return _combine(parts, h)

# --- scband reference (transcript-rebuilt; emitter-appended) ---
"""Pipeline reference for scband-ergcnlayer-33526514713105 (READ-ONLY COPY).

The authoritative reference and input builder live on the scoring server;
editing this copy changes nothing except your own understanding.
"""

import jax, jax.numpy as jnp
import numpy as np

N_NODES = 10000
N_EDGES = 320000
D = 128
NUM_RELS = 100

def setup_inputs(seed: int = 0) -> dict:
    key = jax.random.key(seed)
    k1, k2, k3, k4, k5, k6 = jax.random.split(key, 6)
    h = jax.random.normal(k1, (N_NODES, D), dtype=jnp.float32)
    e = jax.random.normal(k2, (N_EDGES, D), dtype=jnp.float32)
    edge_index = jax.random.randint(k3, (2, N_EDGES), 0, N_NODES, dtype=jnp.int64)
    rel = jax.random.randint(k4, (N_EDGES,), 0, NUM_RELS, dtype=jnp.int64)
    # learned parameters: per-relation weight and attention vectors (xavier-like init)
    scale = np.sqrt(2.0) * np.sqrt(6.0 / (NUM_RELS + D))
    weight = jax.random.uniform(k5, (NUM_RELS, D), dtype=jnp.float32, minval=-scale, maxval=scale)
    attention = jax.random.uniform(k6, (NUM_RELS, D), dtype=jnp.float32, minval=-scale, maxval=scale)
    return {"h": h, "e": e, "weight": weight, "attention": attention, "edge_index": edge_index, "rel": rel}


def reference(h, e, weight, attention, edge_index, rel):
    # ERGCNLayer.forward with reverse=False, bias=None, self_loop=False,
    # activation=None, dropout=0.0
    src = edge_index[0]
    dst = edge_index[1]
    # msg_func: feat = src_node_feat * weight[rel_s] + edge_feat * attention[rel_s]
    w = jnp.take(weight, rel, axis=0)          # [E, D] gather
    a = jnp.take(attention, rel, axis=0)       # [E, D] gather
    node = jnp.take(h, src, axis=0)            # [E, D] gather
    msg = node * w + e * a                     # [E, D]
    # reduce_func: h_dst = h_dst + sum(mailbox msg)  -> scatter-add over dst
    agg = jnp.zeros_like(h).at[dst].add(msg)
    node_repr = h + agg
    return node_repr

if __name__ == "__main__":
    import jax
    _d = setup_inputs()
    print(jax.jit(kernel)(*tuple(_d.values())))

</pallas_src>

<mosaic_0001>
#map = affine_map<(d0, d1) -> (0, 0)>
#map1 = affine_map<(d0, d1) -> (0, 0, 0, 0)>
#map2 = affine_map<(d0, d1) -> (0, 0, 0)>
module attributes {stable_mosaic.version = 14 : i64} {
  func.func @k(%arg0: i32, %arg1: i32, %arg2: memref<10000x128xf32, #tpu.memory_space<hbm>>, %arg3: memref<320000x128xf32, #tpu.memory_space<hbm>>, %arg4: memref<100x128xf32, #tpu.memory_space<hbm>>, %arg5: memref<100x128xf32, #tpu.memory_space<hbm>>, %arg6: memref<32x25x5x80xi32, #tpu.memory_space<hbm>>, %arg7: memref<32x25x5x80xi32, #tpu.memory_space<hbm>>, %arg8: memref<32x25x5x80xi32, #tpu.memory_space<hbm>>, %arg9: memref<2x10000x128xf32, #tpu.memory_space<hbm>>, %arg10: memref<10000x128xf32, #tpu.memory_space<vmem_shared>>, %arg11: memref<5x80xi32, #tpu.memory_space<vmem>>, %arg12: memref<5x80xi32, #tpu.memory_space<vmem>>, %arg13: memref<5x80xi32, #tpu.memory_space<vmem>>, %arg14: memref<80x128xf32, #tpu.memory_space<vmem>>, %arg15: memref<80x128xf32, #tpu.memory_space<vmem>>, %arg16: memref<80x128xf32, #tpu.memory_space<vmem>>, %arg17: memref<80x128xf32, #tpu.memory_space<vmem>>, %arg18: memref<!tpu.dma_semaphore, #tpu.memory_space<semaphore_mem>>, %arg19: memref<!tpu.dma_semaphore, #tpu.memory_space<semaphore_mem>>, %arg20: memref<!tpu.dma_semaphore, #tpu.memory_space<semaphore_mem>>, %arg21: memref<!tpu.dma_semaphore, #tpu.memory_space<semaphore_mem>>, %arg22: memref<!tpu.dma_semaphore, #tpu.memory_space<semaphore_mem>>) attributes {dimension_semantics = [#tpu.dimension_semantics<core_parallel>, #tpu.dimension_semantics<subcore_parallel>], iteration_bounds = array<i64: 2, 16>, scalar_prefetch = 0 : i64, scratch_operands = 13 : i64, tpu.core_type = #tpu.core_type<sc_vector_subcore>, window_params = [{transform_indices = #map}, {transform_indices = #map}, {transform_indices = #map}, {transform_indices = #map}, {transform_indices = #map1}, {transform_indices = #map1}, {transform_indices = #map1}, {transform_indices = #map2}]} {
    %mul3A = arith.constant 16 : i32
    %mul3A_0 = arith.muli %arg0, %mul3A : i32
    %add3A = arith.addi %mul3A_0, %arg1 : i32
    %mul3A_1 = arith.constant 624 : i32
    %mul3A_2 = arith.muli %arg1, %mul3A_1 : i32
    "tpu.region"() ({
      %run_scoped3A = tpu.sem_alloc : memref<!tpu.dma_semaphore, #tpu.memory_space<semaphore_mem>>
      %dma_start3A = arith.constant 0 : i32
      %dma_start3A_20 = tpu.memref_slice %arg10[%mul3A_2, %dma_start3A] : memref<10000x128xf32, #tpu.memory_space<vmem_shared>> -> memref<624x128xf32, #tpu.memory_space<vmem_shared>>
      %dma_start3A_21 = arith.constant 0 : i32
      %dma_start3A_22 = tpu.memref_slice %arg2[%mul3A_2, %dma_start3A_21] : memref<10000x128xf32, #tpu.memory_space<hbm>> -> memref<624x128xf32, #tpu.memory_space<hbm>>
      tpu.enqueue_dma source(%dma_start3A_22 : memref<624x128xf32, #tpu.memory_space<hbm>>) target(%dma_start3A_20 : memref<624x128xf32, #tpu.memory_space<vmem_shared>>) target_semaphore(%run_scoped3A : memref<!tpu.dma_semaphore, #tpu.memory_space<semaphore_mem>>)
      %dma_wait3A_23 = arith.constant 0 : i32
      %dma_wait3A_24 = tpu.memref_slice %arg10[%mul3A_2, %dma_wait3A_23] : memref<10000x128xf32, #tpu.memory_space<vmem_shared>> -> memref<624x128xf32, #tpu.memory_space<vmem_shared>>
      %dma_wait3A_25 = arith.constant 0 : i32
      %dma_wait3A_26 = tpu.memref_slice %arg2[%mul3A_2, %dma_wait3A_25] : memref<10000x128xf32, #tpu.memory_space<hbm>> -> memref<624x128xf32, #tpu.memory_space<hbm>>
      tpu.wait_dma2 semaphore(%run_scoped3A : memref<!tpu.dma_semaphore, #tpu.memory_space<semaphore_mem>>) src(%dma_wait3A_26 : memref<624x128xf32, #tpu.memory_space<hbm>>) dst(%dma_wait3A_24 : memref<624x128xf32, #tpu.memory_space<vmem_shared>>)
      tpu.yield
    }) : () -> ()
    %eq3A = arith.constant 0 : i32
    %eq3A_3 = arith.cmpi eq, %arg1, %eq3A : i32
    %convert_element_type3A = arith.extui %eq3A_3 : i1 to i32
    %cond3A = arith.constant 0 : i32
    %cond3A_4 = arith.cmpi ne, %convert_element_type3A, %cond3A : i32
    scf.if %cond3A_4 {
      "tpu.region"() ({
        %run_scoped3A = tpu.sem_alloc : memref<!tpu.dma_semaphore, #tpu.memory_space<semaphore_mem>>
        %dma_start3A = arith.constant 9984 : i32
        %dma_start3A_20 = arith.constant 0 : i32
        %dma_start3A_21 = tpu.memref_slice %arg10[%dma_start3A, %dma_start3A_20] : memref<10000x128xf32, #tpu.memory_space<vmem_shared>> -> memref<16x128xf32, #tpu.memory_space<vmem_shared>>
        %dma_start3A_22 = arith.constant 9984 : i32
        %dma_start3A_23 = arith.constant 0 : i32
        %dma_start3A_24 = tpu.memref_slice %arg2[%dma_start3A_22, %dma_start3A_23] : memref<10000x128xf32, #tpu.memory_space<hbm>> -> memref<16x128xf32, #tpu.memory_space<hbm>>
        tpu.enqueue_dma source(%dma_start3A_24 : memref<16x128xf32, #tpu.memory_space<hbm>>) target(%dma_start3A_21 : memref<16x128xf32, #tpu.memory_space<vmem_shared>>) target_semaphore(%run_scoped3A : memref<!tpu.dma_semaphore, #tpu.memory_space<semaphore_mem>>)
        %dma_wait3A_25 = arith.constant 9984 : i32
        %dma_wait3A_26 = arith.constant 0 : i32
        %dma_wait3A_27 = tpu.memref_slice %arg10[%dma_wait3A_25, %dma_wait3A_26] : memref<10000x128xf32, #tpu.memory_space<vmem_shared>> -> memref<16x128xf32, #tpu.memory_space<vmem_shared>>
        %dma_wait3A_28 = arith.constant 9984 : i32
        %dma_wait3A_29 = arith.constant 0 : i32
        %dma_wait3A_30 = tpu.memref_slice %arg2[%dma_wait3A_28, %dma_wait3A_29] : memref<10000x128xf32, #tpu.memory_space<hbm>> -> memref<16x128xf32, #tpu.memory_space<hbm>>
        tpu.wait_dma2 semaphore(%run_scoped3A : memref<!tpu.dma_semaphore, #tpu.memory_space<semaphore_mem>>) src(%dma_wait3A_30 : memref<16x128xf32, #tpu.memory_space<hbm>>) dst(%dma_wait3A_27 : memref<16x128xf32, #tpu.memory_space<vmem_shared>>)
        tpu.yield
      }) : () -> ()
    } else {
    }
    %barrier3A = arith.constant 0 : index
    tpu.barrier barrier_id(%barrier3A)
    %scan3A = arith.constant 0 : i32
    %scan3A_5 = arith.constant 25 : i32
    %scan3A_6 = arith.addi %scan3A, %scan3A_5 : i32
    %scan3A_7 = arith.constant 1 : i32
    scf.for %scan3A_20 = %scan3A to %scan3A_6 step %scan3A_7  : i32 {
      %mul3A_21 = arith.constant 1 : i32
      %mul3A_22 = arith.muli %scan3A_20, %mul3A_21 : i32
      %add3A_23 = arith.constant 0 : i32
      %add3A_24 = arith.addi %add3A_23, %mul3A_22 : i32
      %ge3A = arith.constant 1 : i32
      %ge3A_25 = arith.cmpi sge, %add3A_24, %ge3A : i32
      %convert_element_type3A_26 = arith.extui %ge3A_25 : i1 to i32
      %cond3A_27 = arith.constant 0 : i32
      %cond3A_28 = arith.cmpi ne, %convert_element_type3A_26, %cond3A_27 : i32
      scf.if %cond3A_28 {
        %dma_wait3A_81 = arith.constant 0 : i32
        %dma_wait3A_82 = arith.constant 0 : i32
        %dma_wait3A_83 = tpu.memref_slice %arg3[%dma_wait3A_81, %dma_wait3A_82] : memref<320000x128xf32, #tpu.memory_space<hbm>> -> memref<80x128xf32, #tpu.memory_space<hbm>>
        %dma_wait3A_84 = arith.constant 0 : i32
        %dma_wait3A_85 = arith.constant 0 : i32
        %dma_wait3A_86 = tpu.memref_slice %arg3[%dma_wait3A_84, %dma_wait3A_85] : memref<320000x128xf32, #tpu.memory_space<hbm>> -> memref<80x128xf32, #tpu.memory_space<hbm>>
        tpu.wait_dma2 semaphore(%arg22 : memref<!tpu.dma_semaphore, #tpu.memory_space<semaphore_mem>>) src(%dma_wait3A_86 : memref<80x128xf32, #tpu.memory_space<hbm>>) dst(%arg14 : memref<80x128xf32, #tpu.memory_space<vmem>>)
      } else {
      }
      %dma_start3A = arith.constant 0 : i32
      %dma_start3A_29 = arith.constant 0 : i32
      %dma_start3A_30 = tpu.memref_slice %arg6[%add3A, %add3A_24, %dma_start3A, %dma_start3A_29] : memref<32x25x5x80xi32, #tpu.memory_space<hbm>> -> memref<1x1x5x80xi32, #tpu.memory_space<hbm>>
      %dma_start3A_31 = tpu.memref_squeeze %dma_start3A_30 : memref<1x1x5x80xi32, #tpu.memory_space<hbm>> -> memref<5x80xi32, #tpu.memory_space<hbm>>
      %dma_start3A_32 = arith.constant 0 : i32
      %dma_start3A_33 = arith.constant 0 : i32
      %dma_start3A_34 = tpu.memref_slice %arg6[%add3A, %add3A_24, %dma_start3A_32, %dma_start3A_33] : memref<32x25x5x80xi32, #tpu.memory_space<hbm>> -> memref<1x1x5x80xi32, #tpu.memory_space<hbm>>
      %dma_start3A_35 = tpu.memref_squeeze %dma_start3A_34 : memref<1x1x5x80xi32, #tpu.memory_space<hbm>> -> memref<5x80xi32, #tpu.memory_space<hbm>>
      tpu.enqueue_dma source(%dma_start3A_35 : memref<5x80xi32, #tpu.memory_space<hbm>>) target(%arg11 : memref<5x80xi32, #tpu.memory_space<vmem>>) target_semaphore(%arg18 : memref<!tpu.dma_semaphore, #tpu.memory_space<semaphore_mem>>)
      %dma_start3A_36 = arith.constant 0 : i32
      %dma_start3A_37 = arith.constant 0 : i32
      %dma_start3A_38 = tpu.memref_slice %arg7[%add3A, %add3A_24, %dma_start3A_36, %dma_start3A_37] : memref<32x25x5x80xi32, #tpu.memory_space<hbm>> -> memref<1x1x5x80xi32, #tpu.memory_space<hbm>>
      %dma_start3A_39 = tpu.memref_squeeze %dma_start3A_38 : memref<1x1x5x80xi32, #tpu.memory_space<hbm>> -> memref<5x80xi32, #tpu.memory_space<hbm>>
      %dma_start3A_40 = arith.constant 0 : i32
      %dma_start3A_41 = arith.constant 0 : i32
      %dma_start3A_42 = tpu.memref_slice %arg7[%add3A, %add3A_24, %dma_start3A_40, %dma_start3A_41] : memref<32x25x5x80xi32, #tpu.memory_space<hbm>> -> memref<1x1x5x80xi32, #tpu.memory_space<hbm>>
      %dma_start3A_43 = tpu.memref_squeeze %dma_start3A_42 : memref<1x1x5x80xi32, #tpu.memory_space<hbm>> -> memref<5x80xi32, #tpu.memory_space<hbm>>
      tpu.enqueue_dma source(%dma_start3A_43 : memref<5x80xi32, #tpu.memory_space<hbm>>) target(%arg12 : memref<5x80xi32, #tpu.memory_space<vmem>>) target_semaphore(%arg19 : memref<!tpu.dma_semaphore, #tpu.memory_space<semaphore_mem>>)
      %dma_start3A_44 = arith.constant 0 : i32
      %dma_start3A_45 = arith.constant 0 : i32
      %dma_start3A_46 = tpu.memref_slice %arg8[%add3A, %add3A_24, %dma_start3A_44, %dma_start3A_45] : memref<32x25x5x80xi32, #tpu.memory_space<hbm>> -> memref<1x1x5x80xi32, #tpu.memory_space<hbm>>
      %dma_start3A_47 = tpu.memref_squeeze %dma_start3A_46 : memref<1x1x5x80xi32, #tpu.memory_space<hbm>> -> memref<5x80xi32, #tpu.memory_space<hbm>>
      %dma_start3A_48 = arith.constant 0 : i32
      %dma_start3A_49 = arith.constant 0 : i32
      %dma_start3A_50 = tpu.memref_slice %arg8[%add3A, %add3A_24, %dma_start3A_48, %dma_start3A_49] : memref<32x25x5x80xi32, #tpu.memory_space<hbm>> -> memref<1x1x5x80xi32, #tpu.memory_space<hbm>>
      %dma_start3A_51 = tpu.memref_squeeze %dma_start3A_50 : memref<1x1x5x80xi32, #tpu.memory_space<hbm>> -> memref<5x80xi32, #tpu.memory_space<hbm>>
      tpu.enqueue_dma source(%dma_start3A_51 : memref<5x80xi32, #tpu.memory_space<hbm>>) target(%arg13 : memref<5x80xi32, #tpu.memory_space<vmem>>) target_semaphore(%arg20 : memref<!tpu.dma_semaphore, #tpu.memory_space<semaphore_mem>>)
      %dma_wait3A_52 = arith.constant 0 : i32
      %dma_wait3A_53 = arith.constant 0 : i32
      %dma_wait3A_54 = tpu.memref_slice %arg6[%add3A, %add3A_24, %dma_wait3A_52, %dma_wait3A_53] : memref<32x25x5x80xi32, #tpu.memory_space<hbm>> -> memref<1x1x5x80xi32, #tpu.memory_space<hbm>>
      %dma_wait3A_55 = tpu.memref_squeeze %dma_wait3A_54 : memref<1x1x5x80xi32, #tpu.memory_space<hbm>> -> memref<5x80xi32, #tpu.memory_space<hbm>>
      %dma_wait3A_56 = arith.constant 0 : i32
      %dma_wait3A_57 = arith.constant 0 : i32
      %dma_wait3A_58 = tpu.memref_slice %arg6[%add3A, %add3A_24, %dma_wait3A_56, %dma_wait3A_57] : memref<32x25x5x80xi32, #tpu.memory_space<hbm>> -> memref<1x1x5x80xi32, #tpu.memory_space<hbm>>
      %dma_wait3A_59 = tpu.memref_squeeze %dma_wait3A_58 : memref<1x1x5x80xi32, #tpu.memory_space<hbm>> -> memref<5x80xi32, #tpu.memory_space<hbm>>
      tpu.wait_dma2 semaphore(%arg18 : memref<!tpu.dma_semaphore, #tpu.memory_space<semaphore_mem>>) src(%dma_wait3A_59 : memref<5x80xi32, #tpu.memory_space<hbm>>) dst(%arg11 : memref<5x80xi32, #tpu.memory_space<vmem>>)
      %dma_wait3A_60 = arith.constant 0 : i32
      %dma_wait3A_61 = arith.constant 0 : i32
      %dma_wait3A_62 = tpu.memref_slice %arg7[%add3A, %add3A_24, %dma_wait3A_60, %dma_wait3A_61] : memref<32x25x5x80xi32, #tpu.memory_space<hbm>> -> memref<1x1x5x80xi32, #tpu.memory_space<hbm>>
      %dma_wait3A_63 = tpu.memref_squeeze %dma_wait3A_62 : memref<1x1x5x80xi32, #tpu.memory_space<hbm>> -> memref<5x80xi32, #tpu.memory_space<hbm>>
      %dma_wait3A_64 = arith.constant 0 : i32
      %dma_wait3A_65 = arith.constant 0 : i32
      %dma_wait3A_66 = tpu.memref_slice %arg7[%add3A, %add3A_24, %dma_wait3A_64, %dma_wait3A_65] : memref<32x25x5x80xi32, #tpu.memory_space<hbm>> -> memref<1x1x5x80xi32, #tpu.memory_space<hbm>>
      %dma_wait3A_67 = tpu.memref_squeeze %dma_wait3A_66 : memref<1x1x5x80xi32, #tpu.memory_space<hbm>> -> memref<5x80xi32, #tpu.memory_space<hbm>>
      tpu.wait_dma2 semaphore(%arg19 : memref<!tpu.dma_semaphore, #tpu.memory_space<semaphore_mem>>) src(%dma_wait3A_67 : memref<5x80xi32, #tpu.memory_space<hbm>>) dst(%arg12 : memref<5x80xi32, #tpu.memory_space<vmem>>)
      %dma_wait3A_68 = arith.constant 0 : i32
      %dma_wait3A_69 = arith.constant 0 : i32
      %dma_wait3A_70 = tpu.memref_slice %arg8[%add3A, %add3A_24, %dma_wait3A_68, %dma_wait3A_69] : memref<32x25x5x80xi32, #tpu.memory_space<hbm>> -> memref<1x1x5x80xi32, #tpu.memory_space<hbm>>
      %dma_wait3A_71 = tpu.memref_squeeze %dma_wait3A_70 : memref<1x1x5x80xi32, #tpu.memory_space<hbm>> -> memref<5x80xi32, #tpu.memory_space<hbm>>
      %dma_wait3A_72 = arith.constant 0 : i32
      %dma_wait3A_73 = arith.constant 0 : i32
      %dma_wait3A_74 = tpu.memref_slice %arg8[%add3A, %add3A_24, %dma_wait3A_72, %dma_wait3A_73] : memref<32x25x5x80xi32, #tpu.memory_space<hbm>> -> memref<1x1x5x80xi32, #tpu.memory_space<hbm>>
      %dma_wait3A_75 = tpu.memref_squeeze %dma_wait3A_74 : memref<1x1x5x80xi32, #tpu.memory_space<hbm>> -> memref<5x80xi32, #tpu.memory_space<hbm>>
      tpu.wait_dma2 semaphore(%arg20 : memref<!tpu.dma_semaphore, #tpu.memory_space<semaphore_mem>>) src(%dma_wait3A_75 : memref<5x80xi32, #tpu.memory_space<hbm>>) dst(%arg13 : memref<5x80xi32, #tpu.memory_space<vmem>>)
      %scan3A_76 = arith.constant 0 : i32
      %scan3A_77 = arith.constant 5 : i32
      %scan3A_78 = arith.addi %scan3A_76, %scan3A_77 : i32
      %scan3A_79 = arith.constant 1 : i32
      scf.for %scan3A_81 = %scan3A_76 to %scan3A_78 step %scan3A_79  : i32 {
        %mul3A_82 = arith.constant 1 : i32
        %mul3A_83 = arith.muli %scan3A_81, %mul3A_82 : i32
        %add3A_84 = arith.constant 0 : i32
        %add3A_85 = arith.addi %add3A_84, %mul3A_83 : i32
        %ge3A_86 = arith.constant 1 : i32
        %ge3A_87 = arith.cmpi sge, %add3A_85, %ge3A_86 : i32
        %convert_element_type3A_88 = arith.extui %ge3A_87 : i1 to i32
        %cond3A_89 = arith.constant 0 : i32
        %cond3A_90 = arith.cmpi ne, %convert_element_type3A_88, %cond3A_89 : i32
        scf.if %cond3A_90 {
          %dma_wait3A_154 = arith.constant 0 : i32
          %dma_wait3A_155 = arith.constant 0 : i32
          %dma_wait3A_156 = tpu.memref_slice %arg3[%dma_wait3A_154, %dma_wait3A_155] : memref<320000x128xf32, #tpu.memory_space<hbm>> -> memref<80x128xf32, #tpu.memory_space<hbm>>
          %dma_wait3A_157 = arith.constant 0 : i32
          %dma_wait3A_158 = arith.constant 0 : i32
          %dma_wait3A_159 = tpu.memref_slice %arg3[%dma_wait3A_157, %dma_wait3A_158] : memref<320000x128xf32, #tpu.memory_space<hbm>> -> memref<80x128xf32, #tpu.memory_space<hbm>>
          tpu.wait_dma2 semaphore(%arg22 : memref<!tpu.dma_semaphore, #tpu.memory_space<semaphore_mem>>) src(%dma_wait3A_159 : memref<80x128xf32, #tpu.memory_space<hbm>>) dst(%arg14 : memref<80x128xf32, #tpu.memory_space<vmem>>)
        } else {
        }
        %mul3A_91 = arith.constant 10000 : i32
        %mul3A_92 = arith.muli %add3A, %mul3A_91 : i32
        %mul3A_93 = arith.constant 5 : i32
        %mul3A_94 = arith.muli %add3A_24, %mul3A_93 : i32
        %add3A_95 = arith.addi %mul3A_94, %add3A_85 : i32
        %mul3A_96 = arith.constant 80 : i32
        %mul3A_97 = arith.muli %add3A_95, %mul3A_96 : i32
        %add3A_98 = arith.addi %mul3A_92, %mul3A_97 : i32
        %dma_start3A_99 = arith.constant 0 : i32
        %dma_start3A_100 = tpu.memref_slice %arg11[%add3A_85, %dma_start3A_99] : memref<5x80xi32, #tpu.memory_space<vmem>> -> memref<1x80xi32, #tpu.memory_space<vmem>>
        %dma_start3A_101 = tpu.memref_squeeze %dma_start3A_100 : memref<1x80xi32, #tpu.memory_space<vmem>> -> memref<80xi32, #tpu.memory_space<vmem>>
        %dma_start3A_102 = arith.constant 0 : i32
        %dma_start3A_103 = arith.constant 0 : i32
        %dma_start3A_104 = tpu.memref_slice %arg2[%dma_start3A_102, %dma_start3A_103] : memref<10000x128xf32, #tpu.memory_space<hbm>> -> memref<10000x128xf32, #tpu.memory_space<hbm>>
        tpu.enqueue_indirect_dma source(%dma_start3A_104 : memref<10000x128xf32, #tpu.memory_space<hbm>>) target(%arg14 : memref<80x128xf32, #tpu.memory_space<vmem>>) offsets(%dma_start3A_101 : memref<80xi32, #tpu.memory_space<vmem>>) semaphore(%arg18 : memref<!tpu.dma_semaphore, #tpu.memory_space<semaphore_mem>>)
        %dma_start3A_105 = arith.constant 0 : i32
        %dma_start3A_106 = tpu.memref_slice %arg13[%add3A_85, %dma_start3A_105] : memref<5x80xi32, #tpu.memory_space<vmem>> -> memref<1x80xi32, #tpu.memory_space<vmem>>
        %dma_start3A_107 = tpu.memref_squeeze %dma_start3A_106 : memref<1x80xi32, #tpu.memory_space<vmem>> -> memref<80xi32, #tpu.memory_space<vmem>>
        %dma_start3A_108 = arith.constant 0 : i32
        %dma_start3A_109 = arith.constant 0 : i32
        %dma_start3A_110 = tpu.memref_slice %arg4[%dma_start3A_108, %dma_start3A_109] : memref<100x128xf32, #tpu.memory_space<hbm>> -> memref<100x128xf32, #tpu.memory_space<hbm>>
        tpu.enqueue_indirect_dma source(%dma_start3A_110 : memref<100x128xf32, #tpu.memory_space<hbm>>) target(%arg16 : memref<80x128xf32, #tpu.memory_space<vmem>>) offsets(%dma_start3A_107 : memref<80xi32, #tpu.memory_space<vmem>>) semaphore(%arg19 : memref<!tpu.dma_semaphore, #tpu.memory_space<semaphore_mem>>)
        %dma_start3A_111 = arith.constant 0 : i32
        %dma_start3A_112 = tpu.memref_slice %arg13[%add3A_85, %dma_start3A_111] : memref<5x80xi32, #tpu.memory_space<vmem>> -> memref<1x80xi32, #tpu.memory_space<vmem>>
        %dma_start3A_113 = tpu.memref_squeeze %dma_start3A_112 : memref<1x80xi32, #tpu.memory_space<vmem>> -> memref<80xi32, #tpu.memory_space<vmem>>
        %dma_start3A_114 = arith.constant 0 : i32
        %dma_start3A_115 = arith.constant 0 : i32
        %dma_start3A_116 = tpu.memref_slice %arg5[%dma_start3A_114, %dma_start3A_115] : memref<100x128xf32, #tpu.memory_space<hbm>> -> memref<100x128xf32, #tpu.memory_space<hbm>>
        tpu.enqueue_indirect_dma source(%dma_start3A_116 : memref<100x128xf32, #tpu.memory_space<hbm>>) target(%arg17 : memref<80x128xf32, #tpu.memory_space<vmem>>) offsets(%dma_start3A_113 : memref<80xi32, #tpu.memory_space<vmem>>) semaphore(%arg20 : memref<!tpu.dma_semaphore, #tpu.memory_space<semaphore_mem>>)
        %dma_start3A_117 = arith.constant 0 : i32
        %dma_start3A_118 = tpu.memref_slice %arg3[%add3A_98, %dma_start3A_117] : memref<320000x128xf32, #tpu.memory_space<hbm>> -> memref<80x128xf32, #tpu.memory_space<hbm>>
        %dma_start3A_119 = arith.constant 0 : i32
        %dma_start3A_120 = tpu.memref_slice %arg3[%add3A_98, %dma_start3A_119] : memref<320000x128xf32, #tpu.memory_space<hbm>> -> memref<80x128xf32, #tpu.memory_space<hbm>>
        tpu.enqueue_dma source(%dma_start3A_120 : memref<80x128xf32, #tpu.memory_space<hbm>>) target(%arg15 : memref<80x128xf32, #tpu.memory_space<vmem>>) target_semaphore(%arg21 : memref<!tpu.dma_semaphore, #tpu.memory_space<semaphore_mem>>)
        %dma_wait3A_121 = arith.constant 0 : i32
        %dma_wait3A_122 = tpu.memref_slice %arg11[%add3A_85, %dma_wait3A_121] : memref<5x80xi32, #tpu.memory_space<vmem>> -> memref<1x80xi32, #tpu.memory_space<vmem>>
        %dma_wait3A_123 = tpu.memref_squeeze %dma_wait3A_122 : memref<1x80xi32, #tpu.memory_space<vmem>> -> memref<80xi32, #tpu.memory_space<vmem>>
        %dma_wait3A_124 = arith.constant 0 : i32
        %dma_wait3A_125 = arith.constant 0 : i32
        %dma_wait3A_126 = tpu.memref_slice %arg2[%dma_wait3A_124, %dma_wait3A_125] : memref<10000x128xf32, #tpu.memory_space<hbm>> -> memref<10000x128xf32, #tpu.memory_space<hbm>>
        tpu.wait_indirect_dma semaphore(%arg18 : memref<!tpu.dma_semaphore, #tpu.memory_space<semaphore_mem>>) src(%dma_wait3A_126 : memref<10000x128xf32, #tpu.memory_space<hbm>>) dst(%arg14 : memref<80x128xf32, #tpu.memory_space<vmem>>)
        %dma_wait3A_127 = arith.constant 0 : i32
        %dma_wait3A_128 = tpu.memref_slice %arg13[%add3A_85, %dma_wait3A_127] : memref<5x80xi32, #tpu.memory_space<vmem>> -> memref<1x80xi32, #tpu.memory_space<vmem>>
        %dma_wait3A_129 = tpu.memref_squeeze %dma_wait3A_128 : memref<1x80xi32, #tpu.memory_space<vmem>> -> memref<80xi32, #tpu.memory_space<vmem>>
        %dma_wait3A_130 = arith.constant 0 : i32
        %dma_wait3A_131 = arith.constant 0 : i32
        %dma_wait3A_132 = tpu.memref_slice %arg4[%dma_wait3A_130, %dma_wait3A_131] : memref<100x128xf32, #tpu.memory_space<hbm>> -> memref<100x128xf32, #tpu.memory_space<hbm>>
        tpu.wait_indirect_dma semaphore(%arg19 : memref<!tpu.dma_semaphore, #tpu.memory_space<semaphore_mem>>) src(%dma_wait3A_132 : memref<100x128xf32, #tpu.memory_space<hbm>>) dst(%arg16 : memref<80x128xf32, #tpu.memory_space<vmem>>)
        %dma_wait3A_133 = arith.constant 0 : i32
        %dma_wait3A_134 = tpu.memref_slice %arg13[%add3A_85, %dma_wait3A_133] : memref<5x80xi32, #tpu.memory_space<vmem>> -> memref<1x80xi32, #tpu.memory_space<vmem>>
        %dma_wait3A_135 = tpu.memref_squeeze %dma_wait3A_134 : memref<1x80xi32, #tpu.memory_space<vmem>> -> memref<80xi32, #tpu.memory_space<vmem>>
        %dma_wait3A_136 = arith.constant 0 : i32
        %dma_wait3A_137 = arith.constant 0 : i32
        %dma_wait3A_138 = tpu.memref_slice %arg5[%dma_wait3A_136, %dma_wait3A_137] : memref<100x128xf32, #tpu.memory_space<hbm>> -> memref<100x128xf32, #tpu.memory_space<hbm>>
        tpu.wait_indirect_dma semaphore(%arg20 : memref<!tpu.dma_semaphore, #tpu.memory_space<semaphore_mem>>) src(%dma_wait3A_138 : memref<100x128xf32, #tpu.memory_space<hbm>>) dst(%arg17 : memref<80x128xf32, #tpu.memory_space<vmem>>)
        %dma_wait3A_139 = arith.constant 0 : i32
        %dma_wait3A_140 = tpu.memref_slice %arg3[%add3A_98, %dma_wait3A_139] : memref<320000x128xf32, #tpu.memory_space<hbm>> -> memref<80x128xf32, #tpu.memory_space<hbm>>
        %dma_wait3A_141 = arith.constant 0 : i32
        %dma_wait3A_142 = tpu.memref_slice %arg3[%add3A_98, %dma_wait3A_141] : memref<320000x128xf32, #tpu.memory_space<hbm>> -> memref<80x128xf32, #tpu.memory_space<hbm>>
        tpu.wait_dma2 semaphore(%arg21 : memref<!tpu.dma_semaphore, #tpu.memory_space<semaphore_mem>>) src(%dma_wait3A_142 : memref<80x128xf32, #tpu.memory_space<hbm>>) dst(%arg15 : memref<80x128xf32, #tpu.memory_space<vmem>>)
        %scan3A_143 = arith.constant 0 : i32
        %scan3A_144 = arith.constant 80 : i32
        %scan3A_145 = arith.addi %scan3A_143, %scan3A_144 : i32
        %scan3A_146 = arith.constant 1 : i32
        scf.for %scan3A_154 = %scan3A_143 to %scan3A_145 step %scan3A_146  : i32 {
          %mul3A_155 = arith.constant 1 : i32
          %mul3A_156 = arith.muli %scan3A_154, %mul3A_155 : i32
          %add3A_157 = arith.constant 0 : i32
          %add3A_158 = arith.addi %add3A_157, %mul3A_156 : i32
          %get3A = arith.index_cast %add3A_158 : i32 to index
          %get3A_159 = arith.constant 0 : index
          %get3A_160 = tpu.vector_load %arg14[%get3A, %get3A_159] {strides = array<i32>} : memref<80x128xf32, #tpu.memory_space<vmem>>, vector<1x16xf32>,
          %get3A_161 = vector.shape_cast %get3A_160 : vector<1x16xf32> to vector<16xf32>
          %get3A_162 = arith.index_cast %add3A_158 : i32 to index
          %get3A_163 = arith.constant 0 : index
          %get3A_164 = tpu.vector_load %arg16[%get3A_162, %get3A_163] {strides = array<i32>} : memref<80x128xf32, #tpu.memory_space<vmem>>, vector<1x16xf32>,
          %get3A_165 = vector.shape_cast %get3A_164 : vector<1x16xf32> to vector<16xf32>
          %mul3A_166 = arith.mulf %get3A_161, %get3A_165 : vector<16xf32>
          %get3A_167 = arith.index_cast %add3A_158 : i32 to index
          %get3A_168 = arith.constant 0 : index
          %get3A_169 = tpu.vector_load %arg15[%get3A_167, %get3A_168] {strides = array<i32>} : memref<80x128xf32, #tpu.memory_space<vmem>>, vector<1x16xf32>,
          %get3A_170 = vector.shape_cast %get3A_169 : vector<1x16xf32> to vector<16xf32>
          %get3A_171 = arith.index_cast %add3A_158 : i32 to index
          %get3A_172 = arith.constant 0 : index
          %get3A_173 = tpu.vector_load %arg17[%get3A_171, %get3A_172] {strides = array<i32>} : memref<80x128xf32, #tpu.memory_space<vmem>>, vector<1x16xf32>,
          %get3A_174 = vector.shape_cast %get3A_173 : vector<1x16xf32> to vector<16xf32>
          %mul3A_175 = arith.mulf %get3A_170, %get3A_174 : vector<16xf32>
          %add3A_176 = arith.addf %mul3A_166, %mul3A_175 : vector<16xf32>
          %swap3A = arith.index_cast %add3A_158 : i32 to index
          %swap3A_177 = arith.constant 0 : index
          %swap3A_178 = tpu.vector_load %arg14[%swap3A, %swap3A_177] {strides = array<i32>} : memref<80x128xf32, #tpu.memory_space<vmem>>, vector<1x16xf32>,
          %swap3A_179 = vector.shape_cast %swap3A_178 : vector<1x16xf32> to vector<16xf32>
          %swap3A_180 = vector.shape_cast %add3A_176 : vector<16xf32> to vector<1x16xf32>
          tpu.vector_store %arg14[%swap3A, %swap3A_177], %swap3A_180 {strides = array<i32>} : memref<80x128xf32, #tpu.memory_space<vmem>>, vector<1x16xf32>,
          %get3A_181 = arith.index_cast %add3A_158 : i32 to index
          %get3A_182 = arith.constant 16 : index
          %get3A_183 = tpu.vector_load %arg14[%get3A_181, %get3A_182] {strides = array<i32>} : memref<80x128xf32, #tpu.memory_space<vmem>>, vector<1x16xf32>,
          %get3A_184 = vector.shape_cast %get3A_183 : vector<1x16xf32> to vector<16xf32>
          %get3A_185 = arith.index_cast %add3A_158 : i32 to index
          %get3A_186 = arith.constant 16 : index
          %get3A_187 = tpu.vector_load %arg16[%get3A_185, %get3A_186] {strides = array<i32>} : memref<80x128xf32, #tpu.memory_space<vmem>>, vector<1x16xf32>,
          %get3A_188 = vector.shape_cast %get3A_187 : vector<1x16xf32> to vector<16xf32>
          %mul3A_189 = arith.mulf %get3A_184, %get3A_188 : vector<16xf32>
          %get3A_190 = arith.index_cast %add3A_158 : i32 to index
          %get3A_191 = arith.constant 16 : index
          %get3A_192 = tpu.vector_load %arg15[%get3A_190, %get3A_191] {strides = array<i32>} : memref<80x128xf32, #tpu.memory_space<vmem>>, vector<1x16xf32>,
          %get3A_193 = vector.shape_cast %get3A_192 : vector<1x16xf32> to vector<16xf32>
          %get3A_194 = arith.index_cast %add3A_158 : i32 to index
          %get3A_195 = arith.constant 16 : index
          %get3A_196 = tpu.vector_load %arg17[%get3A_194, %get3A_195] {strides = array<i32>} : memref<80x128xf32, #tpu.memory_space<vmem>>, vector<1x16xf32>,
          %get3A_197 = vector.shape_cast %get3A_196 : vector<1x16xf32> to vector<16xf32>
          %mul3A_198 = arith.mulf %get3A_193, %get3A_197 : vector<16xf32>
          %add3A_199 = arith.addf %mul3A_189, %mul3A_198 : vector<16xf32>
          %swap3A_200 = arith.index_cast %add3A_158 : i32 to index
          %swap3A_201 = arith.constant 16 : index
          %swap3A_202 = tpu.vector_load %arg14[%swap3A_200, %swap3A_201] {strides = array<i32>} : memref<80x128xf32, #tpu.memory_space<vmem>>, vector<1x16xf32>,
          %swap3A_203 = vector.shape_cast %swap3A_202 : vector<1x16xf32> to vector<16xf32>
          %swap3A_204 = vector.shape_cast %add3A_199 : vector<16xf32> to vector<1x16xf32>
          tpu.vector_store %arg14[%swap3A_200, %swap3A_201], %swap3A_204 {strides = array<i32>} : memref<80x128xf32, #tpu.memory_space<vmem>>, vector<1x16xf32>,
          %get3A_205 = arith.index_cast %add3A_158 : i32 to index
          %get3A_206 = arith.constant 32 : index
          %get3A_207 = tpu.vector_load %arg14[%get3A_205, %get3A_206] {strides = array<i32>} : memref<80x128xf32, #tpu.memory_space<vmem>>, vector<1x16xf32>,
          %get3A_208 = vector.shape_cast %get3A_207 : vector<1x16xf32> to vector<16xf32>
          %get3A_209 = arith.index_cast %add3A_158 : i32 to index
          %get3A_210 = arith.constant 32 : index
          %get3A_211 = tpu.vector_load %arg16[%get3A_209, %get3A_210] {strides = array<i32>} : memref<80x128xf32, #tpu.memory_space<vmem>>, vector<1x16xf32>,
          %get3A_212 = vector.shape_cast %get3A_211 : vector<1x16xf32> to vector<16xf32>
          %mul3A_213 = arith.mulf %get3A_208, %get3A_212 : vector<16xf32>
          %get3A_214 = arith.index_cast %add3A_158 : i32 to index
          %get3A_215 = arith.constant 32 : index
          %get3A_216 = tpu.vector_load %arg15[%get3A_214, %get3A_215] {strides = array<i32>} : memref<80x128xf32, #tpu.memory_space<vmem>>, vector<1x16xf32>,
          %get3A_217 = vector.shape_cast %get3A_216 : vector<1x16xf32> to vector<16xf32>
          %get3A_218 = arith.index_cast %add3A_158 : i32 to index
          %get3A_219 = arith.constant 32 : index
          %get3A_220 = tpu.vector_load %arg17[%get3A_218, %get3A_219] {strides = array<i32>} : memref<80x128xf32, #tpu.memory_space<vmem>>, vector<1x16xf32>,
          %get3A_221 = vector.shape_cast %get3A_220 : vector<1x16xf32> to vector<16xf32>
          %mul3A_222 = arith.mulf %get3A_217, %get3A_221 : vector<16xf32>
          %add3A_223 = arith.addf %mul3A_213, %mul3A_222 : vector<16xf32>
          %swap3A_224 = arith.index_cast %add3A_158 : i32 to index
          %swap3A_225 = arith.constant 32 : index
          %swap3A_226 = tpu.vector_load %arg14[%swap3A_224, %swap3A_225] {strides = array<i32>} : memref<80x128xf32, #tpu.memory_space<vmem>>, vector<1x16xf32>,
          %swap3A_227 = vector.shape_cast %swap3A_226 : vector<1x16xf32> to vector<16xf32>
          %swap3A_228 = vector.shape_cast %add3A_223 : vector<16xf32> to vector<1x16xf32>
          tpu.vector_store %arg14[%swap3A_224, %swap3A_225], %swap3A_228 {strides = array<i32>} : memref<80x128xf32, #tpu.memory_space<vmem>>, vector<1x16xf32>,
          %get3A_229 = arith.index_cast %add3A_158 : i32 to index
          %get3A_230 = arith.constant 48 : index
          %get3A_231 = tpu.vector_load %arg14[%get3A_229, %get3A_230] {strides = array<i32>} : memref<80x128xf32, #tpu.memory_space<vmem>>, vector<1x16xf32>,
          %get3A_232 = vector.shape_cast %get3A_231 : vector<1x16xf32> to vector<16xf32>
          %get3A_233 = arith.index_cast %add3A_158 : i32 to index
          %get3A_234 = arith.constant 48 : index
          %get3A_235 = tpu.vector_load %arg16[%get3A_233, %get3A_234] {strides = array<i32>} : memref<80x128xf32, #tpu.memory_space<vmem>>, vector<1x16xf32>,
          %get3A_236 = vector.shape_cast %get3A_235 : vector<1x16xf32> to vector<16xf32>
          %mul3A_237 = arith.mulf %get3A_232, %get3A_236 : vector<16xf32>
          %get3A_238 = arith.index_cast %add3A_158 : i32 to index
          %get3A_239 = arith.constant 48 : index
          %get3A_240 = tpu.vector_load %arg15[%get3A_238, %get3A_239] {strides = array<i32>} : memref<80x128xf32, #tpu.memory_space<vmem>>, vector<1x16xf32>,
          %get3A_241 = vector.shape_cast %get3A_240 : vector<1x16xf32> to vector<16xf32>
          %get3A_242 = arith.index_cast %add3A_158 : i32 to index
          %get3A_243 = arith.constant 48 : index
          %get3A_244 = tpu.vector_load %arg17[%get3A_242, %get3A_243] {strides = array<i32>} : memref<80x128xf32, #tpu.memory_space<vmem>>, vector<1x16xf32>,
          %get3A_245 = vector.shape_cast %get3A_244 : vector<1x16xf32> to vector<16xf32>
          %mul3A_246 = arith.mulf %get3A_241, %get3A_245 : vector<16xf32>
          %add3A_247 = arith.addf %mul3A_237, %mul3A_246 : vector<16xf32>
          %swap3A_248 = arith.index_cast %add3A_158 : i32 to index
          %swap3A_249 = arith.constant 48 : index
          %swap3A_250 = tpu.vector_load %arg14[%swap3A_248, %swap3A_249] {strides = array<i32>} : memref<80x128xf32, #tpu.memory_space<vmem>>, vector<1x16xf32>,
          %swap3A_251 = vector.shape_cast %swap3A_250 : vector<1x16xf32> to vector<16xf32>
          %swap3A_252 = vector.shape_cast %add3A_247 : vector<16xf32> to vector<1x16xf32>
          tpu.vector_store %arg14[%swap3A_248, %swap3A_249], %swap3A_252 {strides = array<i32>} : memref<80x128xf32, #tpu.memory_space<vmem>>, vector<1x16xf32>,
          %get3A_253 = arith.index_cast %add3A_158 : i32 to index
          %get3A_254 = arith.constant 64 : index
          %get3A_255 = tpu.vector_load %arg14[%get3A_253, %get3A_254] {strides = array<i32>} : memref<80x128xf32, #tpu.memory_space<vmem>>, vector<1x16xf32>,
          %get3A_256 = vector.shape_cast %get3A_255 : vector<1x16xf32> to vector<16xf32>
          %get3A_257 = arith.index_cast %add3A_158 : i32 to index
          %get3A_258 = arith.constant 64 : index
          %get3A_259 = tpu.vector_load %arg16[%get3A_257, %get3A_258] {strides = array<i32>} : memref<80x128xf32, #tpu.memory_space<vmem>>, vector<1x16xf32>,
          %get3A_260 = vector.shape_cast %get3A_259 : vector<1x16xf32> to vector<16xf32>
          %mul3A_261 = arith.mulf %get3A_256, %get3A_260 : vector<16xf32>
          %get3A_262 = arith.index_cast %add3A_158 : i32 to index
          %get3A_263 = arith.constant 64 : index
          %get3A_264 = tpu.vector_load %arg15[%get3A_262, %get3A_263] {strides = array<i32>} : memref<80x128xf32, #tpu.memory_space<vmem>>, vector<1x16xf32>,
          %get3A_265 = vector.shape_cast %get3A_264 : vector<1x16xf32> to vector<16xf32>
          %get3A_266 = arith.index_cast %add3A_158 : i32 to index
          %get3A_267 = arith.constant 64 : index
          %get3A_268 = tpu.vector_load %arg17[%get3A_266, %get3A_267] {strides = array<i32>} : memref<80x128xf32, #tpu.memory_space<vmem>>, vector<1x16xf32>,
          %get3A_269 = vector.shape_cast %get3A_268 : vector<1x16xf32> to vector<16xf32>
          %mul3A_270 = arith.mulf %get3A_265, %get3A_269 : vector<16xf32>
          %add3A_271 = arith.addf %mul3A_261, %mul3A_270 : vector<16xf32>
          %swap3A_272 = arith.index_cast %add3A_158 : i32 to index
          %swap3A_273 = arith.constant 64 : index
          %swap3A_274 = tpu.vector_load %arg14[%swap3A_272, %swap3A_273] {strides = array<i32>} : memref<80x128xf32, #tpu.memory_space<vmem>>, vector<1x16xf32>,
          %swap3A_275 = vector.shape_cast %swap3A_274 : vector<1x16xf32> to vector<16xf32>
          %swap3A_276 = vector.shape_cast %add3A_271 : vector<16xf32> to vector<1x16xf32>
          tpu.vector_store %arg14[%swap3A_272, %swap3A_273], %swap3A_276 {strides = array<i32>} : memref<80x128xf32, #tpu.memory_space<vmem>>, vector<1x16xf32>,
          %get3A_277 = arith.index_cast %add3A_158 : i32 to index
          %get3A_278 = arith.constant 80 : index
          %get3A_279 = tpu.vector_load %arg14[%get3A_277, %get3A_278] {strides = array<i32>} : memref<80x128xf32, #tpu.memory_space<vmem>>, vector<1x16xf32>,
          %get3A_280 = vector.shape_cast %get3A_279 : vector<1x16xf32> to vector<16xf32>
          %get3A_281 = arith.index_cast %add3A_158 : i32 to index
          %get3A_282 = arith.constant 80 : index
          %get3A_283 = tpu.vector_load %arg16[%get3A_281, %get3A_282] {strides = array<i32>} : memref<80x128xf32, #tpu.memory_space<vmem>>, vector<1x16xf32>,
          %get3A_284 = vector.shape_cast %get3A_283 : vector<1x16xf32> to vector<16xf32>
          %mul3A_285 = arith.mulf %get3A_280, %get3A_284 : vector<16xf32>
          %get3A_286 = arith.index_cast %add3A_158 : i32 to index
          %get3A_287 = arith.constant 80 : index
          %get3A_288 = tpu.vector_load %arg15[%get3A_286, %get3A_287] {strides = array<i32>} : memref<80x128xf32, #tpu.memory_space<vmem>>, vector<1x16xf32>,
          %get3A_289 = vector.shape_cast %get3A_288 : vector<1x16xf32> to vector<16xf32>
          %get3A_290 = arith.index_cast %add3A_158 : i32 to index
          %get3A_291 = arith.constant 80 : index
          %get3A_292 = tpu.vector_load %arg17[%get3A_290, %get3A_291] {strides = array<i32>} : memref<80x128xf32, #tpu.memory_space<vmem>>, vector<1x16xf32>,
          %get3A_293 = vector.shape_cast %get3A_292 : vector<1x16xf32> to vector<16xf32>
          %mul3A_294 = arith.mulf %get3A_289, %get3A_293 : vector<16xf32>
          %add3A_295 = arith.addf %mul3A_285, %mul3A_294 : vector<16xf32>
          %swap3A_296 = arith.index_cast %add3A_158 : i32 to index
          %swap3A_297 = arith.constant 80 : index
          %swap3A_298 = tpu.vector_load %arg14[%swap3A_296, %swap3A_297] {strides = array<i32>} : memref<80x128xf32, #tpu.memory_space<vmem>>, vector<1x16xf32>,
          %swap3A_299 = vector.shape_cast %swap3A_298 : vector<1x16xf32> to vector<16xf32>
          %swap3A_300 = vector.shape_cast %add3A_295 : vector<16xf32> to vector<1x16xf32>
          tpu.vector_store %arg14[%swap3A_296, %swap3A_297], %swap3A_300 {strides = array<i32>} : memref<80x128xf32, #tpu.memory_space<vmem>>, vector<1x16xf32>,
          %get3A_301 = arith.index_cast %add3A_158 : i32 to index
          %get3A_302 = arith.constant 96 : index
          %get3A_303 = tpu.vector_load %arg14[%get3A_301, %get3A_302] {strides = array<i32>} : memref<80x128xf32, #tpu.memory_space<vmem>>, vector<1x16xf32>,
          %get3A_304 = vector.shape_cast %get3A_303 : vector<1x16xf32> to vector<16xf32>
          %get3A_305 = arith.index_cast %add3A_158 : i32 to index
          %get3A_306 = arith.constant 96 : index
          %get3A_307 = tpu.vector_load %arg16[%get3A_305, %get3A_306] {strides = array<i32>} : memref<80x128xf32, #tpu.memory_space<vmem>>, vector<1x16xf32>,
          %get3A_308 = vector.shape_cast %get3A_307 : vector<1x16xf32> to vector<16xf32>
          %mul3A_309 = arith.mulf %get3A_304, %get3A_308 : vector<16xf32>
          %get3A_310 = arith.index_cast %add3A_158 : i32 to index
          %get3A_311 = arith.constant 96 : index
          %get3A_312 = tpu.vector_load %arg15[%get3A_310, %get3A_311] {strides = array<i32>} : memref<80x128xf32, #tpu.memory_space<vmem>>, vector<1x16xf32>,
          %get3A_313 = vector.shape_cast %get3A_312 : vector<1x16xf32> to vector<16xf32>
          %get3A_314 = arith.index_cast %add3A_158 : i32 to index
          %get3A_315 = arith.constant 96 : index
          %get3A_316 = tpu.vector_load %arg17[%get3A_314, %get3A_315] {strides = array<i32>} : memref<80x128xf32, #tpu.memory_space<vmem>>, vector<1x16xf32>,
          %get3A_317 = vector.shape_cast %get3A_316 : vector<1x16xf32> to vector<16xf32>
          %mul3A_318 = arith.mulf %get3A_313, %get3A_317 : vector<16xf32>
          %add3A_319 = arith.addf %mul3A_309, %mul3A_318 : vector<16xf32>
          %swap3A_320 = arith.index_cast %add3A_158 : i32 to index
          %swap3A_321 = arith.constant 96 : index
          %swap3A_322 = tpu.vector_load %arg14[%swap3A_320, %swap3A_321] {strides = array<i32>} : memref<80x128xf32, #tpu.memory_space<vmem>>, vector<1x16xf32>,
          %swap3A_323 = vector.shape_cast %swap3A_322 : vector<1x16xf32> to vector<16xf32>
          %swap3A_324 = vector.shape_cast %add3A_319 : vector<16xf32> to vector<1x16xf32>
          tpu.vector_store %arg14[%swap3A_320, %swap3A_321], %swap3A_324 {strides = array<i32>} : memref<80x128xf32, #tpu.memory_space<vmem>>, vector<1x16xf32>,
          %get3A_325 = arith.index_cast %add3A_158 : i32 to index
          %get3A_326 = arith.constant 112 : index
          %get3A_327 = tpu.vector_load %arg14[%get3A_325, %get3A_326] {strides = array<i32>} : memref<80x128xf32, #tpu.memory_space<vmem>>, vector<1x16xf32>,
          %get3A_328 = vector.shape_cast %get3A_327 : vector<1x16xf32> to vector<16xf32>
          %get3A_329 = arith.index_cast %add3A_158 : i32 to index
          %get3A_330 = arith.constant 112 : index
          %get3A_331 = tpu.vector_load %arg16[%get3A_329, %get3A_330] {strides = array<i32>} : memref<80x128xf32, #tpu.memory_space<vmem>>, vector<1x16xf32>,
          %get3A_332 = vector.shape_cast %get3A_331 : vector<1x16xf32> to vector<16xf32>
          %mul3A_333 = arith.mulf %get3A_328, %get3A_332 : vector<16xf32>
          %get3A_334 = arith.index_cast %add3A_158 : i32 to index
          %get3A_335 = arith.constant 112 : index
          %get3A_336 = tpu.vector_load %arg15[%get3A_334, %get3A_335] {strides = array<i32>} : memref<80x128xf32, #tpu.memory_space<vmem>>, vector<1x16xf32>,
          %get3A_337 = vector.shape_cast %get3A_336 : vector<1x16xf32> to vector<16xf32>
          %get3A_338 = arith.index_cast %add3A_158 : i32 to index
          %get3A_339 = arith.constant 112 : index
          %get3A_340 = tpu.vector_load %arg17[%get3A_338, %get3A_339] {strides = array<i32>} : memref<80x128xf32, #tpu.memory_space<vmem>>, vector<1x16xf32>,
          %get3A_341 = vector.shape_cast %get3A_340 : vector<1x16xf32> to vector<16xf32>
          %mul3A_342 = arith.mulf %get3A_337, %get3A_341 : vector<16xf32>
          %add3A_343 = arith.addf %mul3A_333, %mul3A_342 : vector<16xf32>
          %swap3A_344 = arith.index_cast %add3A_158 : i32 to index
          %swap3A_345 = arith.constant 112 : index
          %swap3A_346 = tpu.vector_load %arg14[%swap3A_344, %swap3A_345] {strides = array<i32>} : memref<80x128xf32, #tpu.memory_space<vmem>>, vector<1x16xf32>,
          %swap3A_347 = vector.shape_cast %swap3A_346 : vector<1x16xf32> to vector<16xf32>
          %swap3A_348 = vector.shape_cast %add3A_343 : vector<16xf32> to vector<1x16xf32>
          tpu.vector_store %arg14[%swap3A_344, %swap3A_345], %swap3A_348 {strides = array<i32>} : memref<80x128xf32, #tpu.memory_space<vmem>>, vector<1x16xf32>,
        }
        %scan3A_147 = arith.constant 80 : i32
        %dma_start3A_148 = arith.constant 0 : i32
        %dma_start3A_149 = tpu.memref_slice %arg12[%add3A_85, %dma_start3A_148] : memref<5x80xi32, #tpu.memory_space<vmem>> -> memref<1x80xi32, #tpu.memory_space<vmem>>
        %dma_start3A_150 = tpu.memref_squeeze %dma_start3A_149 : memref<1x80xi32, #tpu.memory_space<vmem>> -> memref<80xi32, #tpu.memory_space<vmem>>
        %dma_start3A_151 = arith.constant 0 : i32
        %dma_start3A_152 = arith.constant 0 : i32
        %dma_start3A_153 = tpu.memref_slice %arg10[%dma_start3A_151, %dma_start3A_152] : memref<10000x128xf32, #tpu.memory_space<vmem_shared>> -> memref<10000x128xf32, #tpu.memory_space<vmem_shared>>
        tpu.enqueue_indirect_dma source(%arg14 : memref<80x128xf32, #tpu.memory_space<vmem>>) target(%dma_start3A_153 : memref<10000x128xf32, #tpu.memory_space<vmem_shared>>) offsets(%dma_start3A_150 : memref<80xi32, #tpu.memory_space<vmem>>) semaphore(%arg22 : memref<!tpu.dma_semaphore, #tpu.memory_space<semaphore_mem>>) {add = true}
      }
      %scan3A_80 = arith.constant 5 : i32
    }
    %scan3A_8 = arith.constant 25 : i32
    %dma_wait3A = arith.constant 0 : i32
    %dma_wait3A_9 = arith.constant 0 : i32
    %dma_wait3A_10 = tpu.memref_slice %arg3[%dma_wait3A, %dma_wait3A_9] : memref<320000x128xf32, #tpu.memory_space<hbm>> -> memref<80x128xf32, #tpu.memory_space<hbm>>
    %dma_wait3A_11 = arith.constant 0 : i32
    %dma_wait3A_12 = arith.constant 0 : i32
    %dma_wait3A_13 = tpu.memref_slice %arg3[%dma_wait3A_11, %dma_wait3A_12] : memref<320000x128xf32, #tpu.memory_space<hbm>> -> memref<80x128xf32, #tpu.memory_space<hbm>>
    tpu.wait_dma2 semaphore(%arg22 : memref<!tpu.dma_semaphore, #tpu.memory_space<semaphore_mem>>) src(%dma_wait3A_13 : memref<80x128xf32, #tpu.memory_space<hbm>>) dst(%arg14 : memref<80x128xf32, #tpu.memory_space<vmem>>)
    %barrier3A_14 = arith.constant 0 : index
    tpu.barrier barrier_id(%barrier3A_14)
    "tpu.region"() ({
      %run_scoped3A = tpu.sem_alloc : memref<!tpu.dma_semaphore, #tpu.memory_space<semaphore_mem>>
      %dma_start3A = arith.constant 0 : i32
      %dma_start3A_20 = tpu.memref_slice %arg9[%arg0, %mul3A_2, %dma_start3A] : memref<2x10000x128xf32, #tpu.memory_space<hbm>> -> memref<1x624x128xf32, #tpu.memory_space<hbm>>
      %dma_start3A_21 = tpu.memref_squeeze %dma_start3A_20 : memref<1x624x128xf32, #tpu.memory_space<hbm>> -> memref<624x128xf32, #tpu.memory_space<hbm>>
      %dma_start3A_22 = arith.constant 0 : i32
      %dma_start3A_23 = tpu.memref_slice %arg10[%mul3A_2, %dma_start3A_22] : memref<10000x128xf32, #tpu.memory_space<vmem_shared>> -> memref<624x128xf32, #tpu.memory_space<vmem_shared>>
      tpu.enqueue_dma source(%dma_start3A_23 : memref<624x128xf32, #tpu.memory_space<vmem_shared>>) target(%dma_start3A_21 : memref<624x128xf32, #tpu.memory_space<hbm>>) target_semaphore(%run_scoped3A : memref<!tpu.dma_semaphore, #tpu.memory_space<semaphore_mem>>)
      %dma_wait3A_24 = arith.constant 0 : i32
      %dma_wait3A_25 = tpu.memref_slice %arg9[%arg0, %mul3A_2, %dma_wait3A_24] : memref<2x10000x128xf32, #tpu.memory_space<hbm>> -> memref<1x624x128xf32, #tpu.memory_space<hbm>>
      %dma_wait3A_26 = tpu.memref_squeeze %dma_wait3A_25 : memref<1x624x128xf32, #tpu.memory_space<hbm>> -> memref<624x128xf32, #tpu.memory_space<hbm>>
      %dma_wait3A_27 = arith.constant 0 : i32
      %dma_wait3A_28 = tpu.memref_slice %arg10[%mul3A_2, %dma_wait3A_27] : memref<10000x128xf32, #tpu.memory_space<vmem_shared>> -> memref<624x128xf32, #tpu.memory_space<vmem_shared>>
      tpu.wait_dma2 semaphore(%run_scoped3A : memref<!tpu.dma_semaphore, #tpu.memory_space<semaphore_mem>>) src(%dma_wait3A_28 : memref<624x128xf32, #tpu.memory_space<vmem_shared>>) dst(%dma_wait3A_26 : memref<624x128xf32, #tpu.memory_space<hbm>>)
      tpu.yield
    }) : () -> ()
    %eq3A_15 = arith.constant 0 : i32
    %eq3A_16 = arith.cmpi eq, %arg1, %eq3A_15 : i32
    %convert_element_type3A_17 = arith.extui %eq3A_16 : i1 to i32
    %cond3A_18 = arith.constant 0 : i32
    %cond3A_19 = arith.cmpi ne, %convert_element_type3A_17, %cond3A_18 : i32
    scf.if %cond3A_19 {
      "tpu.region"() ({
        %run_scoped3A = tpu.sem_alloc : memref<!tpu.dma_semaphore, #tpu.memory_space<semaphore_mem>>
        %dma_start3A = arith.constant 9984 : i32
        %dma_start3A_20 = arith.constant 0 : i32
        %dma_start3A_21 = tpu.memref_slice %arg9[%arg0, %dma_start3A, %dma_start3A_20] : memref<2x10000x128xf32, #tpu.memory_space<hbm>> -> memref<1x16x128xf32, #tpu.memory_space<hbm>>
        %dma_start3A_22 = tpu.memref_squeeze %dma_start3A_21 : memref<1x16x128xf32, #tpu.memory_space<hbm>> -> memref<16x128xf32, #tpu.memory_space<hbm>>
        %dma_start3A_23 = arith.constant 9984 : i32
        %dma_start3A_24 = arith.constant 0 : i32
        %dma_start3A_25 = tpu.memref_slice %arg10[%dma_start3A_23, %dma_start3A_24] : memref<10000x128xf32, #tpu.memory_space<vmem_shared>> -> memref<16x128xf32, #tpu.memory_space<vmem_shared>>
        tpu.enqueue_dma source(%dma_start3A_25 : memref<16x128xf32, #tpu.memory_space<vmem_shared>>) target(%dma_start3A_22 : memref<16x128xf32, #tpu.memory_space<hbm>>) target_semaphore(%run_scoped3A : memref<!tpu.dma_semaphore, #tpu.memory_space<semaphore_mem>>)
        %dma_wait3A_26 = arith.constant 9984 : i32
        %dma_wait3A_27 = arith.constant 0 : i32
        %dma_wait3A_28 = tpu.memref_slice %arg9[%arg0, %dma_wait3A_26, %dma_wait3A_27] : memref<2x10000x128xf32, #tpu.memory_space<hbm>> -> memref<1x16x128xf32, #tpu.memory_space<hbm>>
        %dma_wait3A_29 = tpu.memref_squeeze %dma_wait3A_28 : memref<1x16x128xf32, #tpu.memory_space<hbm>> -> memref<16x128xf32, #tpu.memory_space<hbm>>
        %dma_wait3A_30 = arith.constant 9984 : i32
        %dma_wait3A_31 = arith.constant 0 : i32
        %dma_wait3A_32 = tpu.memref_slice %arg10[%dma_wait3A_30, %dma_wait3A_31] : memref<10000x128xf32, #tpu.memory_space<vmem_shared>> -> memref<16x128xf32, #tpu.memory_space<vmem_shared>>
        tpu.wait_dma2 semaphore(%run_scoped3A : memref<!tpu.dma_semaphore, #tpu.memory_space<semaphore_mem>>) src(%dma_wait3A_32 : memref<16x128xf32, #tpu.memory_space<vmem_shared>>) dst(%dma_wait3A_29 : memref<16x128xf32, #tpu.memory_space<hbm>>)
        tpu.yield
      }) : () -> ()
    } else {
    }
    return
  }
}

module attributes {stable_mosaic.version = 14 : i64} {
  func.func @_combine_kernel(%arg0: i32, %arg1: memref<2x2000x128xf32, #tpu.memory_space<vmem>>, %arg2: memref<2000x128xf32, #tpu.memory_space<vmem>>, %arg3: memref<2000x128xf32, #tpu.memory_space<vmem>>) attributes {dimension_semantics = [#tpu.dimension_semantics<arbitrary>], iteration_bounds = array<i64: 5>, scalar_prefetch = 0 : i64, scratch_operands = 0 : i64, tpu.core_type = #tpu.core_type<tc>, window_params = [{transform_indices = @transform_0, window_bounds = array<i64: 2, 2000, 128>}, {transform_indices = @transform_1, window_bounds = array<i64: 2000, 128>}, {transform_indices = @transform_2, window_bounds = array<i64: 2000, 128>}]} {
    %get3A = arith.constant 0 : index
    %get3A_0 = arith.constant 0 : index
    %get3A_1 = arith.constant 0 : index
    %get3A_2 = vector.load %arg1[%get3A, %get3A_0, %get3A_1] : memref<2x2000x128xf32, #tpu.memory_space<vmem>>, vector<1x2000x128xf32>
    %get3A_3 = vector.shape_cast %get3A_2 : vector<1x2000x128xf32> to vector<2000x128xf32>
    %get3A_4 = arith.constant 1 : index
    %get3A_5 = arith.constant 0 : index
    %get3A_6 = arith.constant 0 : index
    %get3A_7 = vector.load %arg1[%get3A_4, %get3A_5, %get3A_6] : memref<2x2000x128xf32, #tpu.memory_space<vmem>>, vector<1x2000x128xf32>
    %get3A_8 = vector.shape_cast %get3A_7 : vector<1x2000x128xf32> to vector<2000x128xf32>
    %add3A = arith.addf %get3A_3, %get3A_8 : vector<2000x128xf32>
    %get3A_9 = arith.constant 0 : index
    %get3A_10 = arith.constant 0 : index
    %get3A_11 = vector.load %arg2[%get3A_9, %get3A_10] : memref<2000x128xf32, #tpu.memory_space<vmem>>, vector<2000x128xf32>
    %sub3A = arith.subf %add3A, %get3A_11 : vector<2000x128xf32>
    %swap3A = arith.constant 0 : index
    %swap3A_12 = arith.constant 0 : index
    %swap3A_13 = vector.load %arg3[%swap3A, %swap3A_12] : memref<2000x128xf32, #tpu.memory_space<vmem>>, vector<2000x128xf32>
    tpu.vector_store %arg3[%swap3A, %swap3A_12], %sub3A {strides = array<i32>} : memref<2000x128xf32, #tpu.memory_space<vmem>>, vector<2000x128xf32>,
    return
  }
  func.func @transform_0(%arg0: i32) -> (i32, i32, i32) {
    %c0_i32 = arith.constant 0 : i32
    %c0_i32_0 = arith.constant 0 : i32
    %c0_i32_1 = arith.constant 0 : i32
    return %c0_i32, %arg0, %c0_i32_0 : i32, i32, i32
  }
  func.func @transform_1(%arg0: i32) -> (i32, i32) {
    %c0_i32 = arith.constant 0 : i32
    %c0_i32_0 = arith.constant 0 : i32
    return %arg0, %c0_i32 : i32, i32
  }
  func.func @transform_2(%arg0: i32) -> (i32, i32) {
    %c0_i32 = arith.constant 0 : i32
    %c0_i32_0 = arith.constant 0 : i32
    return %arg0, %c0_i32 : i32, i32
  }
}

</mosaic_0001>

<sc_bundles>
// kernel: kernel.4.cloned.1.call-start
scs
__scs_entry_jumppad:
0x0: {  	(pc) =	sbr.rel $0x88, $3  }
0x1: {  	(tag) =	ssettag $0x0;
	lr =	simm.s32 $0x1  }
0x2: {  	[smem:$0x3F9B] =	sst lr;
	_ =	strace $0xD0000000  }
0x3: {  	_ = 	snop  }
0x4: {  	_ = 	snop  }
0x5: {  	_ = 	snop  }
0x6: {  	_ = 	snop  }
0x7: {  	_ = 	snop  }
__scs_overlays_trampoline_lowered:
0x8: {  	[smem:$0x3FAA] =	sst s0  }
0x9: {  	[smem:$0x3FAB] =	sst s1  }
0xa: {  	[smem:$0x3FAC] =	sst s2  }
0xb: {  	[smem:$0x3FAD] =	sst s3  }
0xc: {  	[smem:$0x3FAE] =	sst s4  }
0xd: {  	[smem:$0x3FAF] =	sst s5  }
0xe: {  	[smem:$0x3FB0] =	sst s6  }
0xf: {  	[smem:$0x3FB1] =	sst s7  }
0x10: {  	[smem:$0x3FB2] =	sst s8  }
0x11: {  	[smem:$0x3FB3] =	sst s9;
	s0 =	simm.s32 @!p0 $0x0  }
0x12: {  	s1 =	sld [smem:$0x3F99];
	s0 =	simm.s32 @p0 $0x1  }
0x13: {  	[smem:$0x3FB4] =	sst s0;
	s0 =	simm.s32 @!p1 $0x0  }
0x14: {  	s2 =	sld [smem:$0x3F98];
	s0 =	simm.s32 @p1 $0x1  }
0x15: {  	[smem:$0x3FB5] =	sst s0;
	s0 =	simm.s32 @!p2 $0x0  }
0x16: {  	s3 =	sld [smem:$0x3FDB];
	s0 =	simm.s32 @p2 $0x1  }
0x17: {  	s4 =	simm.s32 $0x1BF5;
	[smem:$0x3FB7] =	sst s0  }
0x18: {  	s0 =	sld [smem:$0x3F9A];
	_ =	swait.ge [sflag:s4], $0x0  }
0x19: {  	s7 =	sld [smem:$0x3F9B]  }
0x1a: {  	s8 =	sadd.s32 $0xFFFFE003, lr  }
0x1b: {  	s9 =	sadd.s32 $0xFFFFFEF7, lr;
	s5 =	simm.s32 $0xFFFFFFFF;
	p2 =	slt.u32 s8, $0xFFFFF086  }
0x1c: {  	p1 =	slt.u32 s9, $0xF7A;
	s5 =	simm.s32 @!p2 $0x0  }
0x1d: {  	s5 =	simm.s32 @p1 $0x1;
	p0 =	seq.s32 s7, s2  }
0x1e: {  	s7 =	smul.u32 @!p0 $0xF7A, s2;
	p2 =	seq.s32 @!p0 s5, $0x0  }
0x1f: {  	s9 =	smul.u32 $0xF7A, s1;
	s8 =	simm.s32 @!p0 $0x1BF5;
	p2 =	por !p2, p0  }
0x20: {  	[sflag:s8] =	ssyncset.s32 @!p0 $0xFFFFF086;
	s6 =	sadd.s32 @!p0 s3, s7;
	s7 =	simm.s32 @!p0 $0x108  }
0x21: {  	s3 =	sadd.s32 s3, s9;
	s6 =	sadd.s32 @!p0 $0x88, s6;
	s7 =	simm.s32 @p2 $0x1082  }
0x22: {  	[simem:s7], [sflag:s8] =	dma.local @!p0 [hbm:s6], $0xF7A  }
0x23: {  	s9 =	sor.u32 $0xD0000000, s2;
	s6 =	simm.s32 $0x108;
	_ =	swait.ge @!p0 [sflag:s8], $0x0  }
0x24: {  	s3 =	sadd.s32 $0x88, s3;
	s6 =	simm.s32 @!p1 $0x1082;
	[sflag:s4] =	ssyncset.s32 $0xFFFFF086  }
0x25: {  	[simem:s6], [sflag:s4] =	dma.local [hbm:s3], $0xF7A  }
0x26: {  	[smem:$0x3F9B] =	sst s1;
	(tag) =	ssettag s2;
	_ =	strace s9  }
0x27: {  	s1 =	sld [smem:$0x3FAB]  }
0x28: {  	s2 =	sld [smem:$0x3FAC]  }
0x29: {  	s4 =	sld [smem:$0x3FAE]  }
0x2a: {  	p0 =	seq.s32 s5, $0x0;
	s5 =	sld [smem:$0x3FAF]  }
0x2b: {  	s6 =	sld [smem:$0x3FB0]  }
0x2c: {  	s7 =	sld [smem:$0x3FB1]  }
0x2d: {  	s3 =	simm.s32 $0x108;
	s8 =	sld [smem:$0x3FB2]  }
0x2e: {  	s3 =	simm.s32 @!p0 $0x1082;
	s9 =	sld [smem:$0x3FB3]  }
0x2f: {  	lr =	sadd.s32 s0, s3;
	s0 =	sld [smem:$0x3FAA]  }
0x30: {  	s3 =	sld [smem:$0x3FAD]  }
0x31: {  	[smem:$0x3FB6] =	sst s10  }
0x32: {  	s10 =	sld [smem:$0x3FB4];
	_ =	sdelay $0x3  }
0x33: {  	p0 =	seq.s32 s10, $0x1;
	s10 =	sld [smem:$0x3FB6];
	_ =	sdelay $0x3  }
0x34: {  	[smem:$0x3FB6] =	sst s10  }
0x35: {  	s10 =	sld [smem:$0x3FB5];
	_ =	sdelay $0x3  }
0x36: {  	p1 =	seq.s32 s10, $0x1;
	s10 =	sld [smem:$0x3FB6];
	_ =	sdelay $0x3  }
0x37: {  	[smem:$0x3FB6] =	sst s10  }
0x38: {  	s10 =	sld [smem:$0x3FB7]  }
0x39: {  	_ = 	snop;
	(pc) =	sbr.ind lr, $3  }
0x3a: {  	_ = 	snop  }
0x3b: {  	_ = 	snop  }
0x3c: {  	p2 =	seq.s32 s10, $0x1;
	s10 =	sld [smem:$0x3FB6]  }
0x3d: {  	_ =	shalt  }
0x3e: {  	_ =	shalt  }
0x3f: {  	_ =	shalt  }
0x40: {  	_ =	shalt  }
0x41: {  	_ =	shalt  }
0x42: {  	_ =	shalt  }
0x43: {  	_ =	shalt  }
0x44: {  	_ =	shalt  }
0x45: {  	_ =	shalt  }
0x46: {  	_ =	shalt  }
0x47: {  	_ =	shalt  }
0x48: {  	_ =	shalt  }
0x49: {  	_ =	shalt  }
0x4a: {  	_ =	shalt  }
0x4b: {  	_ =	shalt  }
0x4c: {  	_ =	shalt  }
0x4d: {  	_ =	shalt  }
0x4e: {  	_ =	shalt  }
0x4f: {  	_ =	shalt  }
0x50: {  	_ =	shalt  }
0x51: {  	_ =	shalt  }
0x52: {  	_ =	shalt  }
0x53: {  	_ =	shalt  }
0x54: {  	_ =	shalt  }
0x55: {  	_ =	shalt  }
0x56: {  	_ =	shalt  }
0x57: {  	_ =	shalt  }
0x58: {  	_ =	shalt  }
0x59: {  	_ =	shalt  }
0x5a: {  	_ =	shalt  }
0x5b: {  	_ =	shalt  }
0x5c: {  	_ =	shalt  }
0x5d: {  	_ =	shalt  }
0x5e: {  	_ =	shalt  }
0x5f: {  	_ =	shalt  }
0x60: {  	_ =	shalt  }
0x61: {  	_ =	shalt  }
0x62: {  	_ =	shalt  }
0x63: {  	_ =	shalt  }
0x64: {  	_ =	shalt  }
0x65: {  	_ =	shalt  }
0x66: {  	_ =	shalt  }
0x67: {  	_ =	shalt  }
0x68: {  	_ =	shalt  }
0x69: {  	_ =	shalt  }
0x6a: {  	_ =	shalt  }
0x6b: {  	_ =	shalt  }
0x6c: {  	_ =	shalt  }
0x6d: {  	_ =	shalt  }
0x6e: {  	_ =	shalt  }
0x6f: {  	_ =	shalt  }
0x70: {  	_ =	shalt  }
0x71: {  	_ =	shalt  }
0x72: {  	_ =	shalt  }
0x73: {  	_ =	shalt  }
0x74: {  	_ =	shalt  }
0x75: {  	_ =	shalt  }
0x76: {  	_ =	shalt  }
0x77: {  	_ =	shalt  }
0x78: {  	_ =	shalt  }
0x79: {  	_ =	shalt  }
0x7a: {  	_ =	shalt  }
0x7b: {  	_ =	shalt  }
0x7c: {  	_ =	shalt  }
0x7d: {  	_ =	shalt  }
0x7e: {  	_ =	shalt  }
0x7f: {  	_ =	shalt  }
0x80: {  	_ =	shalt  }
0x81: {  	_ =	shalt  }
0x82: {  	_ =	shalt  }
0x83: {  	_ =	shalt  }
0x84: {  	_ =	shalt  }
0x85: {  	_ =	shalt  }
0x86: {  	_ =	shalt  }
0x87: {  	_ =	shalt  }
.Lfunc_end0:
.L_simem_size_0:
called_computation_lowered:
.L_overlay_start_0:
0x88: {  	s2 =	sld [smem:$0x3FD9]  }
0x89: {  	s3 =	sld [smem:$0x3FFE];
	_ =	sdelay $0x1  }
0x8a: {  	s1 =	srdreg.scid  }
0x8b: {  	s0 =	sand.u32 $0x1, s1  }
0x8c: {  	s17 =	sshll.u32 s0, $0xA;
	s2 =	sadd.s32 s3, s2  }
0x8d: {  	s2 =	sadd.s32 s2, s17  }
0x8e: {  	[smem:$0x3FC2] =	sst s2  }
0x8f: {  	_ = 	snop  }
0x90: {  	s2 =	sld [smem:$0x3FC9]  }
0x91: {  	s18 =	sld [smem:$0x3FC8]  }
0x92: {  	s4 =	sld [smem:$0x3FC7]  }
0x93: {  	s5 =	sld [smem:$0x3FC6]  }
0x94: {  	s6 =	sld [smem:$0x3FD0];
	(tm) =	ssettm $0x1  }
0x95: {  	s7 =	sld [smem:$0x3FFB];
	_ =	sdelay $0x3  }
0x96: {  	_ =	strace s7  }
0x97: {  	s7 =	sld [smem:$0x3FFC];
	_ =	sdelay $0x3  }
0x98: {  	_ =	strace s7  }
0x99: {  	s7 =	sld [smem:$0x3FFD];
	_ =	sdelay $0x3  }
0x9a: {  	_ =	strace s7  }
0x9b: {  	_ =	strace $0x8FFFFFFF  }
0x9c: {  	s19 =	sld [smem:$0x3FDB];
	_ =	sdelay $0x1  }
0x9d: {  	s8 =	simm.s32 $_scs_section_size  }
0x9e: {  	s9 =	simm.s32 $_size__tile_overlayer_lowered;
	s10 =	simm.s32 $_tile_overlayer_lowered  }
0x9f: {  	s22 =	simm.s32 $0x1BFF;
	s21 =	sshll.u32 s10, $0x1;
	s7 =	sadd.s32 s8, s19  }
0xa0: {  	s11 =	simm.s32 $0x0;
	s20 =	sshll.u32 s9, $0x1;
	s9 =	sadd.s32 s21, s7  }
0xa1: {  	[timem:s11], [sflag:s22] =	dma.local [hbm:s9], s20  }
0xa2: {  	_ =	swait.ge [sflag:s22], s20  }
0xa3: {  	s8 =	ssub.s32 $0x0, s20;
	[sflag:s22] =	ssyncset.done $0x0  }
0xa4: {  	[sflag:s22] =	ssyncadd.s32 s8;
	_ =	sdelay $0x1  }
0xa5: {  	s23 =	simm.s32 $0x1B8B  }
0xa6: {  	_ =	swait.ge [sflag:s23], $0x1  }
0xa7: {  	[sflag:s23] =	ssyncset.done $0x0  }
0xa8: {  	s25 =	simm.s32 $0x1B8E;
	s24 =	sld [smem:$0x3FFE];
	[sflag:s23] =	ssyncadd.s32 $0xFFFFFFFF  }
0xa9: {  	s26 =	simm.s32 $execute0_lowered;
	[smem:$0x3FD2] =	sst s25  }
0xaa: {  	s9 =	sshll.u32 s26, $0x1;
	_ =	strace $0x80000046;
	[dreg:$0x1] =	wrdreg $0xFFFFFFFF  }
0xab: {  	s28 =	simm.s32 $_size_execute0_lowered;
	s7 =	sadd.s32 s7, s9;
	[dreg:$0x0] =	wrdreg $0x0  }
0xac: {  	s9 =	sshll.u32 s28, $0x1;
	[dreg:$0x2] =	wrdreg s7  }
0xad: {  	[dreg:$0x3] =	wrdreg s9  }
0xae: {  	[dreg:$0x4] =	wrdreg $0xC0  }
0xaf: {  	_ =	task [dreg:s11], $0x5FFFF  }
0xb0: {  	[dreg:$0x1] =	wrdreg $0xFFFFFFFF  }
0xb1: {  	[dreg:$0x0] =	wrdreg $0x60  }
0xb2: {  	[dreg:$0x2] =	wrdreg s2  }
0xb3: {  	[dreg:$0x3] =	wrdreg s18  }
0xb4: {  	[dreg:$0x4] =	wrdreg s4  }
0xb5: {  	[dreg:$0x5] =	wrdreg s5  }
0xb6: {  	[dreg:$0x6] =	wrdreg s6  }
0xb7: {  	[dreg:$0x7] =	wrdreg s24  }
0xb8: {  	[dreg:$0x8] =	wrdreg $0x0  }
0xb9: {  	[dreg:$0x9] =	wrdreg $0x9  }
0xba: {  	_ =	task.clear_ibuf [dreg:s11], $0xAFFFF;
	_ =	strace $0x90000046  }
0xbb: {  	s29 =	simm.s32 $0x9;
	_ =	strace $0x80000048  }
0xbc: {  	_ =	swait.ge [sflag:s29], $0x1  }
0xbd: {  	[sflag:s29] =	ssyncadd.s32 $0xFFFFFFFF  }
0xbe: {  	_ =	strace $0x90000048  }
0xbf: {  	_ =	sfence  }
0xc0: {  	s30 =	sld [smem:$0x0];
	_ =	sdelay $0x2  }
0xc1: {  	s31 =	sshll.u32 s1, $0xD;
	s1 =	sshrl.u32 s1, $0x2  }
0xc2: {  	s3 =	sand.u32 $0x4000, s31;
	s1 =	sadd.s32 s1, s30  }
0xc3: {  	s0 =	sor.u32 s3, s0;
	s1 =	sshll.u32 s1, $0x11  }
0xc4: {  	s0 =	sor.u32 s1, s0  }
0xc5: {  	s0 =	sadd.s32 $0x8F2B, s0  }
0xc6: {  	[sflag:s0] =	ssyncadd.remote.s32 $0x1  }
0xc7: {  	_ =	sfence.sel $0xFFFF  }
0xc8: {  	[dreg:$0x0] =	wrdreg $0xFFFFFFFF;
	(pc) =	sbr.abs _section_cstart, $3  }
0xc9: {  	[dreg:$0x1] =	wrdreg $0xFFFFFFFF  }
0xca: {  	_ =	task.clear_ibuf [dreg:s11], $0x2FFFF;
	_ =	strace $0x9FFFFFFF  }
0xcb: {  	(tm) =	ssettm $0x7FFFFFFF  }
tec
execute0_lowered:
.L_overlay_start_1:
0x0: {  	(tag) =	ssettag $0x1  }
0x1: {  	s0 =	rddreg [dreg:$0x0]  }
0x2: {  	s1 =	rddreg [dreg:$0x1]  }
0x3: {  	s2 =	rddreg [dreg:$0x2]  }
0x4: {  	s3 =	rddreg [dreg:$0x3]  }
0x5: {  	s4 =	rddreg [dreg:$0x4]  }
0x6: {  	s9 =	rddreg [dreg:$0x5]  }
0x7: {  	s5 =	rddreg [dreg:$0x6];
	s6 =	simm.s32 $0x0  }
0x8: {  	s8 =	srdreg.scid;
	s11 =	stileid.u32;
	s28 =	simm.s32 $0x14480  }
0x9: {  	s29 =	simm.s32 $0x19480;
	s30 =	simm.s32 $0x1BC80;
	s31 =	simm.s32 $0x16C80  }
0xa: {  	[smem:$0x7FF] =	sst s6;
	s7 =	sadd.s32 $0x200, s9;
	s10 =	sand.u32 $0x1, s8  }
0xb: {  	s8 =	sadd.s32 $0x19200, s9;
	s13 =	smul.u32 $0x4E000, s11;
	s9 =	sadd.s32 $0x32200, s9  }
0xc: {  	s15 =	smul.u32 $0x13800, s11;
	s21 =	sshll.u32 s11, $0x6;
	s22 =	sadd.s32 $0x27000, s0  }
0xd: {  	p0 =	sne.s32 s11, $0x0;
	_ =	strace $0x80000047;
	s12 =	ssub.s32 $0x2, s10  }
0xe: {  	s19 =	sshll.u32 s10, $0x4;
	s17 =	smul.u32 $0x138800, s10;
	s10 =	sor.u32 $0x1C06, s21  }
0xf: {  	[dreg:$0x9] =	wrdreg s22;
	s21 =	simm.s32 $0x13C80;
	s22 =	simm.s32 $0x14080  }
0x10: {  	s14 =	sshrl.u32 s12, $0x1;
	s13 =	sshrl.u32 s13, $0x2;
	s20 =	sshrl.u32 s15, $0x3  }
0x11: {  	s14 =	ssub.s32 s12, s14;
	s12 =	sor.u32 s11, s19;
	s16 =	sadd.s32 s13, s5  }
0x12: {  	s13 =	sadd.s32 s0, s20;
	s19 =	sadd.s32 $0x138000, s5;
	s15 =	sadd.s32 s15, s17  }
0x13: {  	s17 =	sshrl.u32 s17, $0x3;
	s20 =	simm.s32 $0x13880;
	s23 =	smul.u32 $0x27100, s12  }
0x14: {  	[dreg:$0x8] =	wrdreg s13;
	s12 =	smul.u32 $0x6400, s12;
	s26 =	smax.u32 s14, $0x1  }
0x15: {  	s15 =	sshrl.u32 s15, $0x3;
	s14 =	sshrl.u32 s16, $0x3;
	[dreg:$0xc] =	wrdreg s26  }
0x16: {  	s17 =	sadd.s32 s9, s17;
	s16 =	sshrl.u32 @!p0 s19, $0x3;
	[dreg:$0xd] =	wrdreg s14  }
0x17: {  	s24 =	sadd.s32 s9, s15;
	s25 =	sadd.s32 $0x27000, s17;
	[dreg:$0xe] =	wrdreg s16  }
0x18: {  	s15 =	simm.s32 $0x6;
	s26 =	simm.s32 $0x50;
	[dreg:$0xa] =	wrdreg s24  }
0x19: {  	s13 =	sadd.s32 s1, s23;
	[dreg:$0xb] =	wrdreg s25;
	s23 =	simm.s32 $0x1  }
0x1a: {  	s24 =	simm.s32 $0x2;
	s25 =	simm.s32 $0x3;
	s1 =	simm.s32 $0x4  }
.LBB2_1:
0x1b: {  	s9 =	rddreg [dreg:$0x8]  }
0x1c: {  	[spmem:s14], [sflag:s10] =	dma.local [hbm:s9], $0x2700  }
0x1d: {  	_ =	swait.ge [sflag:s15], $0x2700  }
0x1e: {  	[sflag:s15] =	ssyncset.done $0x0  }
0x1f: {  	s9 =	rddreg [dreg:$0x9];
	[sflag:s15] =	ssyncadd.s32 $0xFFFFD900  }
0x20: {  	[spmem:s16], [sflag:s10] =	dma.local @!p0 [hbm:s9], $0x100  }
0x21: {  	s9 =	simm.s32 @!p0 $0x6  }
0x22: {  	_ =	swait.ge @!p0 [sflag:s9], $0x100  }
0x23: {  	[sflag:s9] =	ssyncset.done @!p0 $0x0  }
0x24: {  	[sflag:s9] =	ssyncadd.s32 @!p0 $0xFFFFFF00  }
0x25: {  	s11 =	simm.s32 $0x0;
	[bflag:$0x0] =	sbarrier.arrive $0xFFFF  }
.LBB2_2:
0x26: {  	p1 =	seq.s32 s11, $0x0  }
0x27: {  	s14 =	sshll.u32 s11, $0xA;
	s9 =	simm.s32 @!p1 $0x5  }
0x28: {  	s14 =	sadd.s32 s12, s14;
	_ =	swait.ge @!p1 [sflag:s9], $0x2800  }
0x29: {  	s15 =	sshrl.u32 s14, $0x3;
	[sflag:s9] =	ssyncset.done @!p1 $0x0  }
0x2a: {  	s14 =	simm.s32 $0x0;
	s17 =	sadd.s32 s4, s15;
	[sflag:s9] =	ssyncadd.s32 @!p1 $0xFFFFD800  }
0x2b: {  	[tilespmem:s20], [sflag:$0x1] =	stream.linear.gather [hbm4b:s17+s14], $0x280, $0x38;
	[tilespmem:$0x1E480] =	vst v63  }
0x2c: {  	s18 =	sadd.s32 s7, s15  }
0x2d: {  	[tilespmem:s21], [sflag:$0x2] =	stream.linear.gather [hbm4b:s18+s14], $0x280, $0x38;
	[tilespmem:$0x1E480] =	vst v63  }
0x2e: {  	s19 =	sadd.s32 s8, s15  }
0x2f: {  	[tilespmem:s22], [sflag:$0x3] =	stream.linear.gather [hbm4b:s19+s14], $0x280, $0x38;
	[tilespmem:$0x1E480] =	vst v63  }
0x30: {  	_ =	swait.ge [sflag:s23], $0x280  }
0x31: {  	[sflag:s23] =	ssyncset.done $0x0  }
0x32: {  	[sflag:s23] =	ssyncadd.s32 $0xFFFFFD80  }
0x33: {  	_ =	swait.ge [sflag:s24], $0x280  }
0x34: {  	[sflag:s24] =	ssyncset.done $0x0  }
0x35: {  	[sflag:s24] =	ssyncadd.s32 $0xFFFFFD80  }
0x36: {  	_ =	swait.ge [sflag:s25], $0x280  }
0x37: {  	[sflag:s25] =	ssyncset.done $0x0  }
0x38: {  	s16 =	simm.s32 $0x0;
	s15 =	smul.u32 $0x5, s11;
	[sflag:s25] =	ssyncadd.s32 $0xFFFFFD80  }
.LBB2_3:
0x39: {  	p1 =	seq.s32 s16, $0x0  }
0x3a: {  	s17 =	simm.s32 @!p1 $0x5  }
0x3b: {  	_ =	swait.ge @!p1 [sflag:s17], $0x2800  }
0x3c: {  	s9 =	sshll.u32 s16, $0x7;
	[sflag:s17] =	ssyncset.done @!p1 $0x0  }
0x3d: {  	s19 =	sadd.s32 $0x13880, s9;
	[sflag:s17] =	ssyncadd.s32 @!p1 $0xFFFFD800  }
0x3e: {  	[tilespmem:s28], [sflag:$0x1] =	stream.indirect.gather [hbm4b:s0+s26], $0x80, s19, s26, $0xb8;
	[tilespmem:$0x1E480] =	vst v63  }
0x3f: {  	s18 =	sadd.s32 $0x14080, s9;
	s19 =	sadd.s32 s15, s16  }
0x40: {  	[tilespmem:s29], [sflag:$0x2] =	stream.indirect.gather [hbm4b:s2+s26], $0x80, s18, s26, $0xb8;
	[tilespmem:$0x1E480] =	vst v63  }
0x41: {  	s19 =	smul.u32 $0x500, s19  }
0x42: {  	[tilespmem:s30], [sflag:$0x3] =	stream.indirect.gather [hbm4b:s3+s26], $0x80, s18, s26, $0xb8;
	[tilespmem:$0x1E480] =	vst v63  }
0x43: {  	s19 =	sadd.s32 s13, s19  }
0x44: {  	[tilespmem:s31], [sflag:$0x4] =	stream.linear.gather [hbm4b:s19+s14], $0x2800, $0x38;
	[tilespmem:$0x1E480] =	vst v63  }
0x45: {  	_ =	swait.ge [sflag:s23], $0x2800  }
0x46: {  	[sflag:s23] =	ssyncset.done $0x0  }
0x47: {  	[sflag:s23] =	ssyncadd.s32 $0xFFFFD800  }
0x48: {  	_ =	swait.ge [sflag:s24], $0x2800  }
0x49: {  	[sflag:s24] =	ssyncset.done $0x0  }
0x4a: {  	[sflag:s24] =	ssyncadd.s32 $0xFFFFD800  }
0x4b: {  	_ =	swait.ge [sflag:s25], $0x2800  }
0x4c: {  	[sflag:s25] =	ssyncset.done $0x0  }
0x4d: {  	[sflag:s25] =	ssyncadd.s32 $0xFFFFD800  }
0x4e: {  	_ =	swait.ge [sflag:s1], $0x2800  }
0x4f: {  	[sflag:s1] =	ssyncset.done $0x0  }
0x50: {  	s17 =	simm.s32 $0x0;
	[sflag:s1] =	ssyncadd.s32 $0xFFFFD800  }
0x51: {  	v18 =	vld [tilespmem:s17+$0x19480]  }
0x52: {  	v19 =	vld [tilespmem:s17+$0x16C80]  }
0x53: {  	v23 =	vld [tilespmem:s17+$0x1BC80]  }
0x54: {  	v24 =	vld [tilespmem:s17+$0x19490]  }
0x55: {  	v27 =	vld [tilespmem:s17+$0x16C90]  }
0x56: {  	v28 =	vld [tilespmem:s17+$0x1BC90]  }
0x57: {  	v0 =	vld [tilespmem:s17+$0x194A0]  }
0x58: {  	v6 =	vld [tilespmem:s17+$0x16CA0]  }
0x59: {  	v15 =	vld [tilespmem:s17+$0x1BCA0]  }
0x5a: {  	v9 =	vld [tilespmem:s17+$0x194B0]  }
0x5b: {  	v12 =	vld [tilespmem:s17+$0x16CB0]  }
0x5c: {  	v17 =	vld [tilespmem:s17+$0x1BCB0]  }
0x5d: {  	v7 =	vld [tilespmem:s17+$0x194C0]  }
0x5e: {  	v10 =	vld [tilespmem:s17+$0x16CC0]  }
0x5f: {  	v16 =	vld [tilespmem:s17+$0x1BCC0]  }
0x60: {  	v4 =	vld [tilespmem:s17+$0x194D0]  }
0x61: {  	v8 =	vld [tilespmem:s17+$0x16CD0]  }
0x62: {  	v14 =	vld [tilespmem:s17+$0x1BCD0]  }
0x63: {  	v2 =	vld [tilespmem:s17+$0x194E0]  }
0x64: {  	v5 =	vld [tilespmem:s17+$0x16CE0]  }
0x65: {  	v13 =	vld [tilespmem:s17+$0x1BCE0]  }
0x66: {  	v1 =	vld [tilespmem:s17+$0x194F0]  }
0x67: {  	v3 =	vld [tilespmem:s17+$0x16CF0]  }
0x68: {  	v11 =	vld [tilespmem:s17+$0x1BCF0]  }
0x69: {  	v25 =	vld [tilespmem:s17+$0x14480]  }
0x6a: {  	v29 =	vld [tilespmem:s17+$0x14490]  }
0x6b: {  	v22 =	vld [tilespmem:s17+$0x144A0]  }
0x6c: {  	v21 =	vld [tilespmem:s17+$0x144B0]  }
0x6d: {  	v20 =	vld [tilespmem:s17+$0x144C0]  }
0x6e: {  	v25 =	vmul.f32 v18, v25;
	v26 =	vmul.f32 v23, v19;
	v19 =	vld [tilespmem:s17+$0x144D0]  }
0x6f: {  	s19 =	simm.s32 $0x200;
	v23 =	vmul.f32 v24, v29;
	v24 =	vmul.f32 v28, v27;
	v18 =	vld [tilespmem:s17+$0x144E0]  }
.LBB2_4:
0x70: {  	s18 =	sshra.s32 s19, $0x2;
	p1 =	sne.s32 s19, $0x9E00;
	v25 =	vadd.f32 v26, v25;
	v0 =	vmul.f32 v0, v22;
	v6 =	vmul.f32 v15, v6;
	v15 =	vld [tilespmem:s17+$0x144F0]  }
0x71: {  	v12 =	vmul.f32 v17, v12;
	v26 =	vld [tilespmem:s18+$0x19480];
	v22 =	vadd.f32 v24, v23;
	v9 =	vmul.f32 v9, v21  }
0x72: {  	v23 =	vld [tilespmem:s18+$0x16C80];
	[tilespmem:s17+$0x14480] =	vst v25;
	v0 =	vadd.f32 v6, v0;
	v6 =	vmul.f32 v7, v20;
	v7 =	vmul.f32 v16, v10  }
0x73: {  	v8 =	vmul.f32 v14, v8;
	v24 =	vld [tilespmem:s18+$0x1BC80];
	[tilespmem:s17+$0x14490] =	vst v22;
	v9 =	vadd.f32 v12, v9;
	v4 =	vmul.f32 v4, v19  }
0x74: {  	v5 =	vmul.f32 v13, v5;
	v27 =	vld [tilespmem:s18+$0x19490];
	[tilespmem:s17+$0x144A0] =	vst v0;
	v0 =	vadd.f32 v7, v6;
	v2 =	vmul.f32 v2, v18  }
0x75: {  	v3 =	vmul.f32 v11, v3;
	v18 =	vld [tilespmem:s18+$0x16C90];
	[tilespmem:s17+$0x144B0] =	vst v9;
	v4 =	vadd.f32 v8, v4;
	v1 =	vmul.f32 v1, v15  }
0x76: {  	v28 =	vld [tilespmem:s18+$0x1BC90];
	[tilespmem:s17+$0x144C0] =	vst v0;
	v2 =	vadd.f32 v5, v2  }
0x77: {  	v0 =	vld [tilespmem:s18+$0x194A0];
	[tilespmem:s17+$0x144D0] =	vst v4;
	v1 =	vadd.f32 v3, v1  }
0x78: {  	v6 =	vld [tilespmem:s18+$0x16CA0];
	[tilespmem:s17+$0x144E0] =	vst v2  }
0x79: {  	v15 =	vld [tilespmem:s18+$0x1BCA0];
	[tilespmem:s17+$0x144F0] =	vst v1;
	s17 =	smov.u32 s18  }
0x7a: {  	v9 =	vld [tilespmem:s17+$0x194B0]  }
0x7b: {  	v12 =	vld [tilespmem:s17+$0x16CB0]  }
0x7c: {  	v17 =	vld [tilespmem:s17+$0x1BCB0]  }
0x7d: {  	v7 =	vld [tilespmem:s17+$0x194C0]  }
0x7e: {  	v10 =	vld [tilespmem:s17+$0x16CC0]  }
0x7f: {  	v16 =	vld [tilespmem:s17+$0x1BCC0]  }
0x80: {  	v4 =	vld [tilespmem:s17+$0x194D0]  }
0x81: {  	v8 =	vld [tilespmem:s17+$0x16CD0]  }
0x82: {  	v14 =	vld [tilespmem:s17+$0x1BCD0]  }
0x83: {  	v2 =	vld [tilespmem:s17+$0x194E0]  }
0x84: {  	v5 =	vld [tilespmem:s17+$0x16CE0]  }
0x85: {  	v13 =	vld [tilespmem:s17+$0x1BCE0]  }
0x86: {  	v1 =	vld [tilespmem:s17+$0x194F0]  }
0x87: {  	v3 =	vld [tilespmem:s17+$0x16CF0]  }
0x88: {  	v11 =	vld [tilespmem:s17+$0x1BCF0]  }
0x89: {  	v19 =	vld [tilespmem:s17+$0x14480]  }
0x8a: {  	v29 =	vld [tilespmem:s17+$0x14490]  }
.Ltmp0:
0x8b: {  	v22 =	vld [tilespmem:s17+$0x144A0];
	(pc) =	sbr.rel @p1 .LBB2_4-.Ltmp0, $4  }
0x8c: {  	v21 =	vld [tilespmem:s17+$0x144B0]  }
0x8d: {  	v20 =	vld [tilespmem:s17+$0x144C0]  }
0x8e: {  	v25 =	vmul.f32 v26, v19;
	v26 =	vmul.f32 v24, v23;
	v19 =	vld [tilespmem:s17+$0x144D0]  }
0x8f: {  	s19 =	sadd.s32 $0x200, s19;
	v24 =	vmul.f32 v28, v18;
	v23 =	vmul.f32 v27, v29;
	v18 =	vld [tilespmem:s17+$0x144E0]  }
0x90: {  	v25 =	vadd.f32 v26, v25;
	v0 =	vmul.f32 v0, v22;
	v6 =	vmul.f32 v15, v6;
	v58 =	vld [tilespmem:s17+$0x144F0]  }
0x91: {  	v12 =	vmul.f32 v17, v12;
	v59 =	vadd.f32 v24, v23;
	v9 =	vmul.f32 v9, v21  }
0x92: {  	v61 =	vmul.f32 v16, v10;
	[tilespmem:s17+$0x14480] =	vst v25;
	v0 =	vadd.f32 v6, v0;
	v60 =	vmul.f32 v7, v20  }
0x93: {  	v8 =	vmul.f32 v14, v8;
	[tilespmem:s17+$0x14490] =	vst v59;
	v9 =	vadd.f32 v12, v9;
	v4 =	vmul.f32 v4, v19  }
0x94: {  	v5 =	vmul.f32 v13, v5;
	s16 =	sadd.s32 $0x1, s16;
	[tilespmem:s17+$0x144A0] =	vst v0;
	v62 =	vadd.f32 v61, v60;
	v2 =	vmul.f32 v2, v18  }
0x95: {  	v3 =	vmul.f32 v11, v3;
	p1 =	sne.s32 s16, $0x5;
	[tilespmem:s17+$0x144B0] =	vst v9;
	v4 =	vadd.f32 v8, v4;
	v1 =	vmul.f32 v1, v58  }
.Ltmp1:
0x96: {  	[tilespmem:s17+$0x144C0] =	vst v62;
	v63 =	vadd.f32 v5, v2;
	(pc) =	sbr.rel @p1 .LBB2_3-.Ltmp1, $4  }
0x97: {  	[tilespmem:s17+$0x144D0] =	vst v4;
	v1 =	vadd.f32 v3, v1  }
0x98: {  	[tilespmem:s17+$0x144E0] =	vst v63  }
0x99: {  	s9 =	sadd.s32 $0x13C80, s9;
	[tilespmem:s17+$0x144F0] =	vst v1  }
0x9a: {  	[spmem:s5] =	stream.indirect.scatter.add.f32 [tilespmem:s28], [sflag:$0x5], $0x80, s9, s26, $0xb8;
	[tilespmem:$0x1E480] =	vst v63  }
0x9b: {  	s11 =	sadd.s32 $0x1, s11  }
0x9c: {  	p1 =	sne.s32 s11, $0x19  }
.Ltmp2:
0x9d: {  	_ = 	snop;
	(pc) =	sbr.rel @p1 .LBB2_2-.Ltmp2, $1  }
0x9e: {  	_ =	sdelay $0x3  }
0x9f: {  	s9 =	simm.s32 $0x5  }
0xa0: {  	_ =	swait.ge [sflag:s9], $0x2800  }
0xa1: {  	[sflag:s9] =	ssyncset.done $0x0  }
0xa2: {  	[sflag:s9] =	ssyncadd.s32 $0xFFFFD800  }
0xa3: {  	[bflag:$0x0] =	sbarrier.arrive $0xFFFF  }
0xa4: {  	s19 =	rddreg [dreg:$0xa]  }
0xa5: {  	s15 =	simm.s32 $0x6;
	s14 =	rddreg [dreg:$0xd]  }
0xa6: {  	[hbm:s19], [sflag:s10] =	dma.local [spmem:s14], $0x2700  }
0xa7: {  	_ =	swait.ge [sflag:s15], $0x2700  }
0xa8: {  	[sflag:s15] =	ssyncset.done $0x0;
	s9 =	rddreg [dreg:$0xb]  }
0xa9: {  	s16 =	rddreg [dreg:$0xe];
	[sflag:s15] =	ssyncadd.s32 $0xFFFFD900  }
0xaa: {  	[hbm:s9], [sflag:s10] =	dma.local @!p0 [spmem:s16], $0x100  }
0xab: {  	s9 =	simm.s32 @!p0 $0x6  }
0xac: {  	_ =	swait.ge @!p0 [sflag:s9], $0x100  }
0xad: {  	s6 =	sadd.s32 $0x1, s6;
	s11 =	rddreg [dreg:$0xc]  }
0xae: {  	p1 =	sne.s32 s6, s11  }
.Ltmp3:
0xaf: {  	_ = 	snop;
	(pc) =	sbr.rel @p1 .LBB2_1-.Ltmp3, $3  }
0xb0: {  	_ =	sdelay $0x1  }
0xb1: {  	[sflag:s9] =	ssyncset.done @!p0 $0x0  }
0xb2: {  	[sflag:s9] =	ssyncadd.s32 @!p0 $0xFFFFFF00  }
0xb3: {  	_ =	sfence.sel $0x180000  }
0xb4: {  	[bflag:$0x0] =	sbarrier.arrive $0xFFFF  }
0xb5: {  	_ =	strace $0x90000047  }
0xb6: {  	[bflag:$0x2] =	sbarrier.arrive $0xFFFF  }
0xb7: {  	s0 =	rddreg [dreg:$0x7]  }
0xb8: {  	s0 =	sadd.s32 @!p0 $0x100000, s0  }
0xb9: {  	[sflag:s0] =	ssyncadd.tile.s32 @!p0 $0x1;
	_ =	shalt  }
.Lfunc_end2:
_tile_overlayer_lowered:
.L_overlay_start_2:
0xba: {  	(tag) =	ssettag $0x2  }
0xbb: {  	s0 =	rddreg [dreg:$0x0];
	s2 =	stileid.u32  }
0xbc: {  	s1 =	rddreg [dreg:$0x1];
	p0 =	sne.s32 s2, $0x0  }
0xbd: {  	s3 =	rddreg [dreg:$0x2];
	[bflag:$0x3] =	sbarrier.arrive $0xFFFF;
	s2 =	simm.s32 @!p0 $0x1C06  }
0xbe: {  	[timem:s3], [sflag:s2] =	dma.local @!p0 [hbm:s0], s1  }
0xbf: {  	s0 =	simm.s32 @!p0 $0x6  }
0xc0: {  	_ =	swait.ge @!p0 [sflag:s0], s1  }
0xc1: {  	s1 =	ssub.s32 @!p0 $0x0, s1;
	[sflag:s0] =	ssyncset.done @!p0 $0x0  }
0xc2: {  	[sflag:s0] =	ssyncadd.s32 @!p0 s1  }
0xc3: {  	[bflag:$0x3] =	sbarrier.arrive $0xFFFF  }
0xc4: {  	_ =	shalt  }

</sc_bundles>
